<compile_context>
chip_gen: v7x
topology: tpu7x:2x2x1
jax: 0.10.2.dev20260603
libtpu: 0.0.44.dev20260713+nightly
codegen_flags: <defaults>
</compile_context>

<pallas_src>
import functools

import jax
import jax.numpy as jnp
from jax import lax
from jax.experimental import pallas as pl
from jax.experimental.pallas import tpu as pltpu
from jax.experimental.pallas import tpu_sc as plsc

N = 10000
E = 320000
D_IN = 128
D_HID = 256
D_OUT = 128
AUG = 144

NC = 2
NS = 16
NW = NC * NS

CHUNK = 64
NCHUNK = E // CHUNK
CPW = NCHUNK // NW
CPW_LAST = NCHUNK - CPW * (NW - 1)
N_PAD = 10112
ROWS_PER_TILE = N_PAD // NS


def _make_sc_agg(d):
    mesh = plsc.VectorSubcoreMesh(core_axis_name="c", subcore_axis_name="s")

    @functools.partial(
        pl.kernel,
        mesh=mesh,
        compiler_params=pltpu.CompilerParams(use_tc_tiling_on_sc=False),
        out_type=jax.ShapeDtypeStruct((NC, N_PAD, d), jnp.float32),
        scratch_types=[
            pltpu.VMEM_SHARED((N_PAD, d), jnp.float32),
            pltpu.VMEM((CPW_LAST, CHUNK), jnp.int32),
            pltpu.VMEM((CPW_LAST, CHUNK), jnp.int32),
            pltpu.VMEM((CHUNK, d), jnp.float32),
            pltpu.VMEM((CHUNK, d), jnp.float32),
            pltpu.SemaphoreType.DMA,
            pltpu.SemaphoreType.DMA,
        ],
    )
    def k(table_hbm, edges_hbm, zeros_hbm, out_hbm,
          acc, src_all, dst_all, rows0, rows1, sem0, sem1):
        c = lax.axis_index("c")
        s = lax.axis_index("s")
        wid = c * NS + s
        r0 = s * ROWS_PER_TILE
        row0 = wid * CPW
        pltpu.sync_copy(edges_hbm.at[0, pl.ds(row0, CPW_LAST)], src_all)
        pltpu.sync_copy(edges_hbm.at[1, pl.ds(row0, CPW_LAST)], dst_all)
        nchunks = jnp.where(wid == NW - 1, CPW_LAST, CPW)
        pltpu.async_copy(table_hbm.at[src_all.at[0]], rows0, sem0)
        pltpu.async_copy(table_hbm.at[src_all.at[1]], rows1, sem1)
        pltpu.sync_copy(zeros_hbm.at[pl.ds(r0, ROWS_PER_TILE)],
                        acc.at[pl.ds(r0, ROWS_PER_TILE)])
        plsc.subcore_barrier()

        def pair(g, carry):
            for b, rows, sem in ((0, rows0, sem0), (1, rows1, sem1)):
                i = 2 * g + b
                pltpu.make_async_copy(
                    table_hbm.at[pl.ds(0, CHUNK)], rows, sem).wait()
                pltpu.sync_copy(rows, acc.at[dst_all.at[i]], add=True)
                j = jnp.minimum(i + 2, nchunks - 1)
                pltpu.async_copy(table_hbm.at[src_all.at[j]], rows, sem)
            return carry

        lax.fori_loop(0, nchunks // 2, pair, 0)
        pltpu.make_async_copy(table_hbm.at[pl.ds(0, CHUNK)], rows0, sem0).wait()
        pltpu.make_async_copy(table_hbm.at[pl.ds(0, CHUNK)], rows1, sem1).wait()

        plsc.subcore_barrier()
        pltpu.sync_copy(acc.at[pl.ds(r0, ROWS_PER_TILE)],
                        out_hbm.at[c, pl.ds(r0, ROWS_PER_TILE)])

    return k


_sc_agg_aug = _make_sc_agg(AUG)
_sc_agg_128 = _make_sc_agg(D_OUT)

BLK = 1000


def _tc1_body(p_ref, f_ref, w1s_ref, w1n_ref, b1_ref, w2s_ref, w2n_ref,
              b2_ref, u2_ref, v2_ref, invd_ref):
    p = p_ref[0] + p_ref[1]
    deg = jnp.sum(p[:, 128:144], axis=1, keepdims=True) * (1.0 / 16.0)
    invdeg = 1.0 / jnp.maximum(deg, 1.0)
    hn = p[:, :128] * invdeg
    h1 = f_ref[...] @ w1s_ref[...] + hn @ w1n_ref[...] + b1_ref[...]
    h1 = jnp.maximum(h1, 0.0)
    u2_ref[...] = h1 @ w2n_ref[...]
    v2_ref[...] = h1 @ w2s_ref[...] + b2_ref[...]
    invd_ref[...] = jnp.broadcast_to(invdeg, (BLK, 8))


def _tc1(p1, features, w1s, w1n, b1, w2s, w2n, b2):
    grid = (N // BLK,)
    return pl.pallas_call(
        _tc1_body,
        grid=grid,
        in_specs=[
            pl.BlockSpec((NC, BLK, AUG), lambda i: (0, i, 0)),
            pl.BlockSpec((BLK, D_IN), lambda i: (i, 0)),
            pl.BlockSpec((D_IN, D_HID), lambda i: (0, 0)),
            pl.BlockSpec((D_IN, D_HID), lambda i: (0, 0)),
            pl.BlockSpec((1, D_HID), lambda i: (0, 0)),
            pl.BlockSpec((D_HID, D_OUT), lambda i: (0, 0)),
            pl.BlockSpec((D_HID, D_OUT), lambda i: (0, 0)),
            pl.BlockSpec((1, D_OUT), lambda i: (0, 0)),
        ],
        out_specs=[
            pl.BlockSpec((BLK, D_OUT), lambda i: (i, 0)),
            pl.BlockSpec((BLK, D_OUT), lambda i: (i, 0)),
            pl.BlockSpec((BLK, 8), lambda i: (i, 0)),
        ],
        out_shape=[
            jax.ShapeDtypeStruct((N, D_OUT), jnp.float32),
            jax.ShapeDtypeStruct((N, D_OUT), jnp.float32),
            jax.ShapeDtypeStruct((N, 8), jnp.float32),
        ],
    )(p1, features, w1s, w1n, b1, w2s, w2n, b2)


def _tc2_body(q_ref, v2_ref, invd_ref, out_ref):
    invd = jnp.broadcast_to(invd_ref[...][:, :1], (BLK, D_OUT))
    out_ref[...] = v2_ref[...] + (q_ref[0] + q_ref[1]) * invd


def _tc2(p2, v2, invd):
    grid = (N // BLK,)
    return pl.pallas_call(
        _tc2_body,
        grid=grid,
        in_specs=[
            pl.BlockSpec((NC, BLK, D_OUT), lambda i: (0, i, 0)),
            pl.BlockSpec((BLK, D_OUT), lambda i: (i, 0)),
            pl.BlockSpec((BLK, 8), lambda i: (i, 0)),
        ],
        out_specs=pl.BlockSpec((BLK, D_OUT), lambda i: (i, 0)),
        out_shape=jax.ShapeDtypeStruct((N, D_OUT), jnp.float32),
    )(p2, v2, invd)


def kernel(features, edge_index, W1_self, W1_neigh, b1, W2_self, W2_neigh, b2):
    edges = edge_index.reshape(2, NCHUNK, CHUNK)
    feat_aug = jnp.concatenate(
        [features, jnp.ones((N, AUG - D_IN), jnp.float32)], axis=1)
    zeros_aug = jnp.zeros((N_PAD, AUG), jnp.float32)
    zeros_out = jnp.zeros((N_PAD, D_OUT), jnp.float32)

    p1 = _sc_agg_aug(feat_aug, edges, zeros_aug)
    u2, v2, invd = _tc1(p1, features, W1_self, W1_neigh,
                        b1.reshape(1, D_HID), W2_self, W2_neigh,
                        b2.reshape(1, D_OUT))
    p2 = _sc_agg_128(u2, edges, zeros_out)
    return _tc2(p2, v2, invd)

# --- scband reference (transcript-rebuilt; emitter-appended) ---
"""Pipeline reference for scband-sage-63677185130604 (READ-ONLY COPY).

The authoritative reference and input builder live on the scoring server;
editing this copy changes nothing except your own understanding.
"""

import jax, jax.numpy as jnp
import numpy as np

N_NODES = 10000
N_EDGES = 320000
IN_DIM = 128
HID_DIM = 256
OUT_DIM = 128


def setup_inputs(seed: int = 0) -> dict:
    key = jax.random.key(seed)
    ks = jax.random.split(key, 10)
    features = jax.random.normal(ks[0], (N_NODES, IN_DIM), dtype=jnp.float32)
    edge_index = jax.random.randint(ks[1], (2, N_EDGES), 0, N_NODES, dtype=jnp.int64 if jax.config.jax_enable_x64 else jnp.int32).astype(jnp.int32)
    # SAGEConv layer 1 params (mean aggregator): fc_self, fc_neigh share output dim
    s1 = 1.0 / np.sqrt(IN_DIM)
    W1_self = jax.random.uniform(ks[2], (IN_DIM, HID_DIM), minval=-s1, maxval=s1, dtype=jnp.float32)
    W1_neigh = jax.random.uniform(ks[3], (IN_DIM, HID_DIM), minval=-s1, maxval=s1, dtype=jnp.float32)
    b1 = jnp.zeros((HID_DIM,), dtype=jnp.float32)
    s2 = 1.0 / np.sqrt(HID_DIM)
    W2_self = jax.random.uniform(ks[4], (HID_DIM, OUT_DIM), minval=-s2, maxval=s2, dtype=jnp.float32)
    W2_neigh = jax.random.uniform(ks[5], (HID_DIM, OUT_DIM), minval=-s2, maxval=s2, dtype=jnp.float32)
    b2 = jnp.zeros((OUT_DIM,), dtype=jnp.float32)
    return {
        "features": features,
        "edge_index": edge_index,
        "W1_self": W1_self, "W1_neigh": W1_neigh, "b1": b1,
        "W2_self": W2_self, "W2_neigh": W2_neigh, "b2": b2,
    }


def _sage_conv(h, edge_index, W_self, W_neigh, b):
    # DGL SAGEConv with 'mean' aggregator:
    #   h_neigh[v] = mean_{u in N(v)} h[u]
    #   out = h @ W_self + h_neigh @ W_neigh + b
    src = edge_index[0]
    dst = edge_index[1]
    n = h.shape[0]
    msg = jnp.take(h, src, axis=0)                       # gather  [E, d]
    agg = jax.ops.segment_sum(msg, dst, num_segments=n)  # scatter-add [N, d]
    deg = jax.ops.segment_sum(jnp.ones((src.shape[0],), dtype=h.dtype), dst, num_segments=n)
    h_neigh = agg / jnp.clip(deg, 1.0, None)[:, None]
    return h @ W_self + h_neigh @ W_neigh + b


def reference(features, edge_index, W1_self, W1_neigh, b1, W2_self, W2_neigh, b2):
    h = _sage_conv(features, edge_index, W1_self, W1_neigh, b1)
    h = jax.nn.relu(h)
    # dropout(0.5) is identity in eval mode
    h = _sage_conv(h, edge_index, W2_self, W2_neigh, b2)
    return h

if __name__ == "__main__":
    import jax
    _d = setup_inputs()
    print(jax.jit(kernel)(*tuple(_d.values())))

</pallas_src>

<mosaic_0001>
#map = affine_map<(d0, d1) -> (0, 0)>
#map1 = affine_map<(d0, d1) -> (0, 0, 0)>
module attributes {stable_mosaic.version = 14 : i64} {
  func.func @k(%arg0: i32, %arg1: i32, %arg2: memref<10000x144xf32, #tpu.memory_space<hbm>>, %arg3: memref<2x5000x64xi32, #tpu.memory_space<hbm>>, %arg4: memref<10112x144xf32, #tpu.memory_space<hbm>>, %arg5: memref<2x10112x144xf32, #tpu.memory_space<hbm>>, %arg6: memref<10112x144xf32, #tpu.memory_space<vmem_shared>>, %arg7: memref<164x64xi32, #tpu.memory_space<vmem>>, %arg8: memref<164x64xi32, #tpu.memory_space<vmem>>, %arg9: memref<64x144xf32, #tpu.memory_space<vmem>>, %arg10: memref<64x144xf32, #tpu.memory_space<vmem>>, %arg11: memref<!tpu.dma_semaphore, #tpu.memory_space<semaphore_mem>>, %arg12: memref<!tpu.dma_semaphore, #tpu.memory_space<semaphore_mem>>) attributes {dimension_semantics = [#tpu.dimension_semantics<core_parallel>, #tpu.dimension_semantics<subcore_parallel>], iteration_bounds = array<i64: 2, 16>, scalar_prefetch = 0 : i64, scratch_operands = 7 : i64, tpu.core_type = #tpu.core_type<sc_vector_subcore>, window_params = [{transform_indices = #map}, {transform_indices = #map1}, {transform_indices = #map}, {transform_indices = #map1}]} {
    %mul3A = arith.constant 16 : i32
    %mul3A_0 = arith.muli %arg0, %mul3A : i32
    %add3A = arith.addi %mul3A_0, %arg1 : i32
    %mul3A_1 = arith.constant 632 : i32
    %mul3A_2 = arith.muli %arg1, %mul3A_1 : i32
    %mul3A_3 = arith.constant 156 : i32
    %mul3A_4 = arith.muli %add3A, %mul3A_3 : i32
    %run_scoped3A = arith.constant 0 : i32
    "tpu.region"() ({
      %run_scoped3A_60 = tpu.sem_alloc : memref<!tpu.dma_semaphore, #tpu.memory_space<semaphore_mem>>
      %dma_start3A_61 = arith.constant 0 : i32
      %dma_start3A_62 = tpu.memref_slice %arg3[%run_scoped3A, %mul3A_4, %dma_start3A_61] : memref<2x5000x64xi32, #tpu.memory_space<hbm>> -> memref<1x164x64xi32, #tpu.memory_space<hbm>>
      %dma_start3A_63 = tpu.memref_squeeze %dma_start3A_62 : memref<1x164x64xi32, #tpu.memory_space<hbm>> -> memref<164x64xi32, #tpu.memory_space<hbm>>
      %dma_start3A_64 = arith.constant 0 : i32
      %dma_start3A_65 = tpu.memref_slice %arg3[%run_scoped3A, %mul3A_4, %dma_start3A_64] : memref<2x5000x64xi32, #tpu.memory_space<hbm>> -> memref<1x164x64xi32, #tpu.memory_space<hbm>>
      %dma_start3A_66 = tpu.memref_squeeze %dma_start3A_65 : memref<1x164x64xi32, #tpu.memory_space<hbm>> -> memref<164x64xi32, #tpu.memory_space<hbm>>
      tpu.enqueue_dma source(%dma_start3A_66 : memref<164x64xi32, #tpu.memory_space<hbm>>) target(%arg7 : memref<164x64xi32, #tpu.memory_space<vmem>>) target_semaphore(%run_scoped3A_60 : memref<!tpu.dma_semaphore, #tpu.memory_space<semaphore_mem>>)
      %dma_wait3A_67 = arith.constant 0 : i32
      %dma_wait3A_68 = tpu.memref_slice %arg3[%run_scoped3A, %mul3A_4, %dma_wait3A_67] : memref<2x5000x64xi32, #tpu.memory_space<hbm>> -> memref<1x164x64xi32, #tpu.memory_space<hbm>>
      %dma_wait3A_69 = tpu.memref_squeeze %dma_wait3A_68 : memref<1x164x64xi32, #tpu.memory_space<hbm>> -> memref<164x64xi32, #tpu.memory_space<hbm>>
      %dma_wait3A_70 = arith.constant 0 : i32
      %dma_wait3A_71 = tpu.memref_slice %arg3[%run_scoped3A, %mul3A_4, %dma_wait3A_70] : memref<2x5000x64xi32, #tpu.memory_space<hbm>> -> memref<1x164x64xi32, #tpu.memory_space<hbm>>
      %dma_wait3A_72 = tpu.memref_squeeze %dma_wait3A_71 : memref<1x164x64xi32, #tpu.memory_space<hbm>> -> memref<164x64xi32, #tpu.memory_space<hbm>>
      tpu.wait_dma2 semaphore(%run_scoped3A_60 : memref<!tpu.dma_semaphore, #tpu.memory_space<semaphore_mem>>) src(%dma_wait3A_72 : memref<164x64xi32, #tpu.memory_space<hbm>>) dst(%arg7 : memref<164x64xi32, #tpu.memory_space<vmem>>)
      tpu.yield
    }) : () -> ()
    %run_scoped3A_5 = arith.constant 1 : i32
    "tpu.region"() ({
      %run_scoped3A_60 = tpu.sem_alloc : memref<!tpu.dma_semaphore, #tpu.memory_space<semaphore_mem>>
      %dma_start3A_61 = arith.constant 0 : i32
      %dma_start3A_62 = tpu.memref_slice %arg3[%run_scoped3A_5, %mul3A_4, %dma_start3A_61] : memref<2x5000x64xi32, #tpu.memory_space<hbm>> -> memref<1x164x64xi32, #tpu.memory_space<hbm>>
      %dma_start3A_63 = tpu.memref_squeeze %dma_start3A_62 : memref<1x164x64xi32, #tpu.memory_space<hbm>> -> memref<164x64xi32, #tpu.memory_space<hbm>>
      %dma_start3A_64 = arith.constant 0 : i32
      %dma_start3A_65 = tpu.memref_slice %arg3[%run_scoped3A_5, %mul3A_4, %dma_start3A_64] : memref<2x5000x64xi32, #tpu.memory_space<hbm>> -> memref<1x164x64xi32, #tpu.memory_space<hbm>>
      %dma_start3A_66 = tpu.memref_squeeze %dma_start3A_65 : memref<1x164x64xi32, #tpu.memory_space<hbm>> -> memref<164x64xi32, #tpu.memory_space<hbm>>
      tpu.enqueue_dma source(%dma_start3A_66 : memref<164x64xi32, #tpu.memory_space<hbm>>) target(%arg8 : memref<164x64xi32, #tpu.memory_space<vmem>>) target_semaphore(%run_scoped3A_60 : memref<!tpu.dma_semaphore, #tpu.memory_space<semaphore_mem>>)
      %dma_wait3A_67 = arith.constant 0 : i32
      %dma_wait3A_68 = tpu.memref_slice %arg3[%run_scoped3A_5, %mul3A_4, %dma_wait3A_67] : memref<2x5000x64xi32, #tpu.memory_space<hbm>> -> memref<1x164x64xi32, #tpu.memory_space<hbm>>
      %dma_wait3A_69 = tpu.memref_squeeze %dma_wait3A_68 : memref<1x164x64xi32, #tpu.memory_space<hbm>> -> memref<164x64xi32, #tpu.memory_space<hbm>>
      %dma_wait3A_70 = arith.constant 0 : i32
      %dma_wait3A_71 = tpu.memref_slice %arg3[%run_scoped3A_5, %mul3A_4, %dma_wait3A_70] : memref<2x5000x64xi32, #tpu.memory_space<hbm>> -> memref<1x164x64xi32, #tpu.memory_space<hbm>>
      %dma_wait3A_72 = tpu.memref_squeeze %dma_wait3A_71 : memref<1x164x64xi32, #tpu.memory_space<hbm>> -> memref<164x64xi32, #tpu.memory_space<hbm>>
      tpu.wait_dma2 semaphore(%run_scoped3A_60 : memref<!tpu.dma_semaphore, #tpu.memory_space<semaphore_mem>>) src(%dma_wait3A_72 : memref<164x64xi32, #tpu.memory_space<hbm>>) dst(%arg8 : memref<164x64xi32, #tpu.memory_space<vmem>>)
      tpu.yield
    }) : () -> ()
    %eq3A = arith.constant 31 : i32
    %eq3A_6 = arith.cmpi eq, %add3A, %eq3A : i32
    %jit3A = arith.constant 164 : i32
    %jit3A_7 = arith.constant 156 : i32
    %select_n3A = arith.select %eq3A_6, %jit3A, %jit3A_7 : i32
    %dma_start3A = arith.constant 0 : i32
    %dma_start3A_8 = arith.constant 0 : i32
    %dma_start3A_9 = tpu.memref_slice %arg7[%dma_start3A, %dma_start3A_8] : memref<164x64xi32, #tpu.memory_space<vmem>> -> memref<1x64xi32, #tpu.memory_space<vmem>>
    %dma_start3A_10 = tpu.memref_squeeze %dma_start3A_9 : memref<1x64xi32, #tpu.memory_space<vmem>> -> memref<64xi32, #tpu.memory_space<vmem>>
    %dma_start3A_11 = arith.constant 0 : i32
    %dma_start3A_12 = arith.constant 0 : i32
    %dma_start3A_13 = tpu.memref_slice %arg2[%dma_start3A_11, %dma_start3A_12] : memref<10000x144xf32, #tpu.memory_space<hbm>> -> memref<10000x144xf32, #tpu.memory_space<hbm>>
    tpu.enqueue_indirect_dma source(%dma_start3A_13 : memref<10000x144xf32, #tpu.memory_space<hbm>>) target(%arg9 : memref<64x144xf32, #tpu.memory_space<vmem>>) offsets(%dma_start3A_10 : memref<64xi32, #tpu.memory_space<vmem>>) semaphore(%arg11 : memref<!tpu.dma_semaphore, #tpu.memory_space<semaphore_mem>>)
    %dma_start3A_14 = arith.constant 1 : i32
    %dma_start3A_15 = arith.constant 0 : i32
    %dma_start3A_16 = tpu.memref_slice %arg7[%dma_start3A_14, %dma_start3A_15] : memref<164x64xi32, #tpu.memory_space<vmem>> -> memref<1x64xi32, #tpu.memory_space<vmem>>
    %dma_start3A_17 = tpu.memref_squeeze %dma_start3A_16 : memref<1x64xi32, #tpu.memory_space<vmem>> -> memref<64xi32, #tpu.memory_space<vmem>>
    %dma_start3A_18 = arith.constant 0 : i32
    %dma_start3A_19 = arith.constant 0 : i32
    %dma_start3A_20 = tpu.memref_slice %arg2[%dma_start3A_18, %dma_start3A_19] : memref<10000x144xf32, #tpu.memory_space<hbm>> -> memref<10000x144xf32, #tpu.memory_space<hbm>>
    tpu.enqueue_indirect_dma source(%dma_start3A_20 : memref<10000x144xf32, #tpu.memory_space<hbm>>) target(%arg10 : memref<64x144xf32, #tpu.memory_space<vmem>>) offsets(%dma_start3A_17 : memref<64xi32, #tpu.memory_space<vmem>>) semaphore(%arg12 : memref<!tpu.dma_semaphore, #tpu.memory_space<semaphore_mem>>)
    "tpu.region"() ({
      %run_scoped3A_60 = tpu.sem_alloc : memref<!tpu.dma_semaphore, #tpu.memory_space<semaphore_mem>>
      %dma_start3A_61 = arith.constant 0 : i32
      %dma_start3A_62 = tpu.memref_slice %arg6[%mul3A_2, %dma_start3A_61] : memref<10112x144xf32, #tpu.memory_space<vmem_shared>> -> memref<632x144xf32, #tpu.memory_space<vmem_shared>>
      %dma_start3A_63 = arith.constant 0 : i32
      %dma_start3A_64 = tpu.memref_slice %arg4[%mul3A_2, %dma_start3A_63] : memref<10112x144xf32, #tpu.memory_space<hbm>> -> memref<632x144xf32, #tpu.memory_space<hbm>>
      tpu.enqueue_dma source(%dma_start3A_64 : memref<632x144xf32, #tpu.memory_space<hbm>>) target(%dma_start3A_62 : memref<632x144xf32, #tpu.memory_space<vmem_shared>>) target_semaphore(%run_scoped3A_60 : memref<!tpu.dma_semaphore, #tpu.memory_space<semaphore_mem>>)
      %dma_wait3A_65 = arith.constant 0 : i32
      %dma_wait3A_66 = tpu.memref_slice %arg6[%mul3A_2, %dma_wait3A_65] : memref<10112x144xf32, #tpu.memory_space<vmem_shared>> -> memref<632x144xf32, #tpu.memory_space<vmem_shared>>
      %dma_wait3A_67 = arith.constant 0 : i32
      %dma_wait3A_68 = tpu.memref_slice %arg4[%mul3A_2, %dma_wait3A_67] : memref<10112x144xf32, #tpu.memory_space<hbm>> -> memref<632x144xf32, #tpu.memory_space<hbm>>
      tpu.wait_dma2 semaphore(%run_scoped3A_60 : memref<!tpu.dma_semaphore, #tpu.memory_space<semaphore_mem>>) src(%dma_wait3A_68 : memref<632x144xf32, #tpu.memory_space<hbm>>) dst(%dma_wait3A_66 : memref<632x144xf32, #tpu.memory_space<vmem_shared>>)
      tpu.yield
    }) : () -> ()
    %barrier3A = arith.constant 0 : index
    tpu.barrier barrier_id(%barrier3A)
    %jit3A_21 = arith.constant 2 : i32
    %div3A = arith.divsi %select_n3A, %jit3A_21 : i32
    %sign3A = arith.constant 0 : i32
    %sign3A_22 = arith.cmpi sgt, %select_n3A, %sign3A : i32
    %sign3A_23 = arith.extui %sign3A_22 : i1 to i32
    %sign3A_24 = arith.constant 0 : i32
    %sign3A_25 = arith.cmpi slt, %select_n3A, %sign3A_24 : i32
    %sign3A_26 = arith.extui %sign3A_25 : i1 to i32
    %sign3A_27 = arith.subi %sign3A_23, %sign3A_26 : i32
    %sign3A_28 = arith.constant 0 : i32
    %sign3A_29 = arith.cmpi sgt, %jit3A_21, %sign3A_28 : i32
    %sign3A_30 = arith.extui %sign3A_29 : i1 to i32
    %sign3A_31 = arith.constant 0 : i32
    %sign3A_32 = arith.cmpi slt, %jit3A_21, %sign3A_31 : i32
    %sign3A_33 = arith.extui %sign3A_32 : i1 to i32
    %sign3A_34 = arith.subi %sign3A_30, %sign3A_33 : i32
    %ne3A = arith.cmpi ne, %sign3A_27, %sign3A_34 : i32
    %rem3A = arith.remsi %select_n3A, %jit3A_21 : i32
    %ne3A_35 = arith.constant 0 : i32
    %ne3A_36 = arith.cmpi ne, %rem3A, %ne3A_35 : i32
    %and3A = arith.andi %ne3A, %ne3A_36 : i1
    %sub3A = arith.constant 1 : i32
    %sub3A_37 = arith.subi %div3A, %sub3A : i32
    %select_n3A_38 = arith.select %and3A, %sub3A_37, %div3A : i32
    %while3A = arith.constant 0 : i32
    %while3A_39 = arith.constant 0 : i32
    %while3A_40 = arith.subi %select_n3A_38, %while3A_39 : i32
    %while3A_41 = arith.addi %while3A_39, %while3A_40 : i32
    %while3A_42 = arith.constant 1 : i32
    %while3A_43 = arith.divsi %while3A_40, %while3A_42 : i32
    %while3A_44 = arith.muli %while3A_43, %while3A_42 : i32
    %while3A_45 = arith.addi %while3A_39, %while3A_44 : i32
    %while3A_46 = arith.constant 1 : i32
    scf.for %while3A_60 = %while3A_39 to %while3A_45 step %while3A_46  : i32 {
      %mul3A_61 = arith.constant 2 : i32
      %mul3A_62 = arith.muli %mul3A_61, %while3A_60 : i32
      %add3A_63 = arith.constant 0 : i32
      %add3A_64 = arith.addi %mul3A_62, %add3A_63 : i32
      %dma_wait3A_65 = arith.constant 0 : i32
      %dma_wait3A_66 = arith.constant 0 : i32
      %dma_wait3A_67 = tpu.memref_slice %arg2[%dma_wait3A_65, %dma_wait3A_66] : memref<10000x144xf32, #tpu.memory_space<hbm>> -> memref<64x144xf32, #tpu.memory_space<hbm>>
      %dma_wait3A_68 = arith.constant 0 : i32
      %dma_wait3A_69 = arith.constant 0 : i32
      %dma_wait3A_70 = tpu.memref_slice %arg2[%dma_wait3A_68, %dma_wait3A_69] : memref<10000x144xf32, #tpu.memory_space<hbm>> -> memref<64x144xf32, #tpu.memory_space<hbm>>
      tpu.wait_dma2 semaphore(%arg11 : memref<!tpu.dma_semaphore, #tpu.memory_space<semaphore_mem>>) src(%dma_wait3A_70 : memref<64x144xf32, #tpu.memory_space<hbm>>) dst(%arg9 : memref<64x144xf32, #tpu.memory_space<vmem>>)
      "tpu.region"() ({
        %run_scoped3A_102 = tpu.sem_alloc : memref<!tpu.dma_semaphore, #tpu.memory_space<semaphore_mem>>
        %dma_start3A_103 = arith.constant 0 : i32
        %dma_start3A_104 = tpu.memref_slice %arg8[%add3A_64, %dma_start3A_103] : memref<164x64xi32, #tpu.memory_space<vmem>> -> memref<1x64xi32, #tpu.memory_space<vmem>>
        %dma_start3A_105 = tpu.memref_squeeze %dma_start3A_104 : memref<1x64xi32, #tpu.memory_space<vmem>> -> memref<64xi32, #tpu.memory_space<vmem>>
        %dma_start3A_106 = arith.constant 0 : i32
        %dma_start3A_107 = arith.constant 0 : i32
        %dma_start3A_108 = tpu.memref_slice %arg6[%dma_start3A_106, %dma_start3A_107] : memref<10112x144xf32, #tpu.memory_space<vmem_shared>> -> memref<10112x144xf32, #tpu.memory_space<vmem_shared>>
        tpu.enqueue_indirect_dma source(%arg9 : memref<64x144xf32, #tpu.memory_space<vmem>>) target(%dma_start3A_108 : memref<10112x144xf32, #tpu.memory_space<vmem_shared>>) offsets(%dma_start3A_105 : memref<64xi32, #tpu.memory_space<vmem>>) semaphore(%run_scoped3A_102 : memref<!tpu.dma_semaphore, #tpu.memory_space<semaphore_mem>>) {add = true}
        %dma_wait3A_109 = arith.constant 0 : i32
        %dma_wait3A_110 = tpu.memref_slice %arg8[%add3A_64, %dma_wait3A_109] : memref<164x64xi32, #tpu.memory_space<vmem>> -> memref<1x64xi32, #tpu.memory_space<vmem>>
        %dma_wait3A_111 = tpu.memref_squeeze %dma_wait3A_110 : memref<1x64xi32, #tpu.memory_space<vmem>> -> memref<64xi32, #tpu.memory_space<vmem>>
        %dma_wait3A_112 = arith.constant 0 : i32
        %dma_wait3A_113 = arith.constant 0 : i32
        %dma_wait3A_114 = tpu.memref_slice %arg6[%dma_wait3A_112, %dma_wait3A_113] : memref<10112x144xf32, #tpu.memory_space<vmem_shared>> -> memref<10112x144xf32, #tpu.memory_space<vmem_shared>>
        tpu.wait_indirect_dma semaphore(%run_scoped3A_102 : memref<!tpu.dma_semaphore, #tpu.memory_space<semaphore_mem>>) src(%arg9 : memref<64x144xf32, #tpu.memory_space<vmem>>) dst(%dma_wait3A_114 : memref<10112x144xf32, #tpu.memory_space<vmem_shared>>)
        tpu.yield
      }) : () -> ()
      %add3A_71 = arith.constant 2 : i32
      %add3A_72 = arith.addi %add3A_64, %add3A_71 : i32
      %sub3A_73 = arith.constant 1 : i32
      %sub3A_74 = arith.subi %select_n3A, %sub3A_73 : i32
      %min3A = arith.minsi %add3A_72, %sub3A_74 : i32
      %dma_start3A_75 = arith.constant 0 : i32
      %dma_start3A_76 = tpu.memref_slice %arg7[%min3A, %dma_start3A_75] : memref<164x64xi32, #tpu.memory_space<vmem>> -> memref<1x64xi32, #tpu.memory_space<vmem>>
      %dma_start3A_77 = tpu.memref_squeeze %dma_start3A_76 : memref<1x64xi32, #tpu.memory_space<vmem>> -> memref<64xi32, #tpu.memory_space<vmem>>
      %dma_start3A_78 = arith.constant 0 : i32
      %dma_start3A_79 = arith.constant 0 : i32
      %dma_start3A_80 = tpu.memref_slice %arg2[%dma_start3A_78, %dma_start3A_79] : memref<10000x144xf32, #tpu.memory_space<hbm>> -> memref<10000x144xf32, #tpu.memory_space<hbm>>
      tpu.enqueue_indirect_dma source(%dma_start3A_80 : memref<10000x144xf32, #tpu.memory_space<hbm>>) target(%arg9 : memref<64x144xf32, #tpu.memory_space<vmem>>) offsets(%dma_start3A_77 : memref<64xi32, #tpu.memory_space<vmem>>) semaphore(%arg11 : memref<!tpu.dma_semaphore, #tpu.memory_space<semaphore_mem>>)
      %mul3A_81 = arith.constant 2 : i32
      %mul3A_82 = arith.muli %mul3A_81, %while3A_60 : i32
      %add3A_83 = arith.constant 1 : i32
      %add3A_84 = arith.addi %mul3A_82, %add3A_83 : i32
      %dma_wait3A_85 = arith.constant 0 : i32
      %dma_wait3A_86 = arith.constant 0 : i32
      %dma_wait3A_87 = tpu.memref_slice %arg2[%dma_wait3A_85, %dma_wait3A_86] : memref<10000x144xf32, #tpu.memory_space<hbm>> -> memref<64x144xf32, #tpu.memory_space<hbm>>
      %dma_wait3A_88 = arith.constant 0 : i32
      %dma_wait3A_89 = arith.constant 0 : i32
      %dma_wait3A_90 = tpu.memref_slice %arg2[%dma_wait3A_88, %dma_wait3A_89] : memref<10000x144xf32, #tpu.memory_space<hbm>> -> memref<64x144xf32, #tpu.memory_space<hbm>>
      tpu.wait_dma2 semaphore(%arg12 : memref<!tpu.dma_semaphore, #tpu.memory_space<semaphore_mem>>) src(%dma_wait3A_90 : memref<64x144xf32, #tpu.memory_space<hbm>>) dst(%arg10 : memref<64x144xf32, #tpu.memory_space<vmem>>)
      "tpu.region"() ({
        %run_scoped3A_102 = tpu.sem_alloc : memref<!tpu.dma_semaphore, #tpu.memory_space<semaphore_mem>>
        %dma_start3A_103 = arith.constant 0 : i32
        %dma_start3A_104 = tpu.memref_slice %arg8[%add3A_84, %dma_start3A_103] : memref<164x64xi32, #tpu.memory_space<vmem>> -> memref<1x64xi32, #tpu.memory_space<vmem>>
        %dma_start3A_105 = tpu.memref_squeeze %dma_start3A_104 : memref<1x64xi32, #tpu.memory_space<vmem>> -> memref<64xi32, #tpu.memory_space<vmem>>
        %dma_start3A_106 = arith.constant 0 : i32
        %dma_start3A_107 = arith.constant 0 : i32
        %dma_start3A_108 = tpu.memref_slice %arg6[%dma_start3A_106, %dma_start3A_107] : memref<10112x144xf32, #tpu.memory_space<vmem_shared>> -> memref<10112x144xf32, #tpu.memory_space<vmem_shared>>
        tpu.enqueue_indirect_dma source(%arg10 : memref<64x144xf32, #tpu.memory_space<vmem>>) target(%dma_start3A_108 : memref<10112x144xf32, #tpu.memory_space<vmem_shared>>) offsets(%dma_start3A_105 : memref<64xi32, #tpu.memory_space<vmem>>) semaphore(%run_scoped3A_102 : memref<!tpu.dma_semaphore, #tpu.memory_space<semaphore_mem>>) {add = true}
        %dma_wait3A_109 = arith.constant 0 : i32
        %dma_wait3A_110 = tpu.memref_slice %arg8[%add3A_84, %dma_wait3A_109] : memref<164x64xi32, #tpu.memory_space<vmem>> -> memref<1x64xi32, #tpu.memory_space<vmem>>
        %dma_wait3A_111 = tpu.memref_squeeze %dma_wait3A_110 : memref<1x64xi32, #tpu.memory_space<vmem>> -> memref<64xi32, #tpu.memory_space<vmem>>
        %dma_wait3A_112 = arith.constant 0 : i32
        %dma_wait3A_113 = arith.constant 0 : i32
        %dma_wait3A_114 = tpu.memref_slice %arg6[%dma_wait3A_112, %dma_wait3A_113] : memref<10112x144xf32, #tpu.memory_space<vmem_shared>> -> memref<10112x144xf32, #tpu.memory_space<vmem_shared>>
        tpu.wait_indirect_dma semaphore(%run_scoped3A_102 : memref<!tpu.dma_semaphore, #tpu.memory_space<semaphore_mem>>) src(%arg10 : memref<64x144xf32, #tpu.memory_space<vmem>>) dst(%dma_wait3A_114 : memref<10112x144xf32, #tpu.memory_space<vmem_shared>>)
        tpu.yield
      }) : () -> ()
      %add3A_91 = arith.constant 2 : i32
      %add3A_92 = arith.addi %add3A_84, %add3A_91 : i32
      %sub3A_93 = arith.constant 1 : i32
      %sub3A_94 = arith.subi %select_n3A, %sub3A_93 : i32
      %min3A_95 = arith.minsi %add3A_92, %sub3A_94 : i32
      %dma_start3A_96 = arith.constant 0 : i32
      %dma_start3A_97 = tpu.memref_slice %arg7[%min3A_95, %dma_start3A_96] : memref<164x64xi32, #tpu.memory_space<vmem>> -> memref<1x64xi32, #tpu.memory_space<vmem>>
      %dma_start3A_98 = tpu.memref_squeeze %dma_start3A_97 : memref<1x64xi32, #tpu.memory_space<vmem>> -> memref<64xi32, #tpu.memory_space<vmem>>
      %dma_start3A_99 = arith.constant 0 : i32
      %dma_start3A_100 = arith.constant 0 : i32
      %dma_start3A_101 = tpu.memref_slice %arg2[%dma_start3A_99, %dma_start3A_100] : memref<10000x144xf32, #tpu.memory_space<hbm>> -> memref<10000x144xf32, #tpu.memory_space<hbm>>
      tpu.enqueue_indirect_dma source(%dma_start3A_101 : memref<10000x144xf32, #tpu.memory_space<hbm>>) target(%arg10 : memref<64x144xf32, #tpu.memory_space<vmem>>) offsets(%dma_start3A_98 : memref<64xi32, #tpu.memory_space<vmem>>) semaphore(%arg12 : memref<!tpu.dma_semaphore, #tpu.memory_space<semaphore_mem>>)
    }
    %while3A_47 = arith.constant 1 : i32
    scf.for %while3A_60 = %while3A_45 to %while3A_41 step %while3A_47  : i32 {
      %mul3A_61 = arith.constant 2 : i32
      %mul3A_62 = arith.muli %mul3A_61, %while3A_60 : i32
      %add3A_63 = arith.constant 0 : i32
      %add3A_64 = arith.addi %mul3A_62, %add3A_63 : i32
      %dma_wait3A_65 = arith.constant 0 : i32
      %dma_wait3A_66 = arith.constant 0 : i32
      %dma_wait3A_67 = tpu.memref_slice %arg2[%dma_wait3A_65, %dma_wait3A_66] : memref<10000x144xf32, #tpu.memory_space<hbm>> -> memref<64x144xf32, #tpu.memory_space<hbm>>
      %dma_wait3A_68 = arith.constant 0 : i32
      %dma_wait3A_69 = arith.constant 0 : i32
      %dma_wait3A_70 = tpu.memref_slice %arg2[%dma_wait3A_68, %dma_wait3A_69] : memref<10000x144xf32, #tpu.memory_space<hbm>> -> memref<64x144xf32, #tpu.memory_space<hbm>>
      tpu.wait_dma2 semaphore(%arg11 : memref<!tpu.dma_semaphore, #tpu.memory_space<semaphore_mem>>) src(%dma_wait3A_70 : memref<64x144xf32, #tpu.memory_space<hbm>>) dst(%arg9 : memref<64x144xf32, #tpu.memory_space<vmem>>)
      "tpu.region"() ({
        %run_scoped3A_102 = tpu.sem_alloc : memref<!tpu.dma_semaphore, #tpu.memory_space<semaphore_mem>>
        %dma_start3A_103 = arith.constant 0 : i32
        %dma_start3A_104 = tpu.memref_slice %arg8[%add3A_64, %dma_start3A_103] : memref<164x64xi32, #tpu.memory_space<vmem>> -> memref<1x64xi32, #tpu.memory_space<vmem>>
        %dma_start3A_105 = tpu.memref_squeeze %dma_start3A_104 : memref<1x64xi32, #tpu.memory_space<vmem>> -> memref<64xi32, #tpu.memory_space<vmem>>
        %dma_start3A_106 = arith.constant 0 : i32
        %dma_start3A_107 = arith.constant 0 : i32
        %dma_start3A_108 = tpu.memref_slice %arg6[%dma_start3A_106, %dma_start3A_107] : memref<10112x144xf32, #tpu.memory_space<vmem_shared>> -> memref<10112x144xf32, #tpu.memory_space<vmem_shared>>
        tpu.enqueue_indirect_dma source(%arg9 : memref<64x144xf32, #tpu.memory_space<vmem>>) target(%dma_start3A_108 : memref<10112x144xf32, #tpu.memory_space<vmem_shared>>) offsets(%dma_start3A_105 : memref<64xi32, #tpu.memory_space<vmem>>) semaphore(%run_scoped3A_102 : memref<!tpu.dma_semaphore, #tpu.memory_space<semaphore_mem>>) {add = true}
        %dma_wait3A_109 = arith.constant 0 : i32
        %dma_wait3A_110 = tpu.memref_slice %arg8[%add3A_64, %dma_wait3A_109] : memref<164x64xi32, #tpu.memory_space<vmem>> -> memref<1x64xi32, #tpu.memory_space<vmem>>
        %dma_wait3A_111 = tpu.memref_squeeze %dma_wait3A_110 : memref<1x64xi32, #tpu.memory_space<vmem>> -> memref<64xi32, #tpu.memory_space<vmem>>
        %dma_wait3A_112 = arith.constant 0 : i32
        %dma_wait3A_113 = arith.constant 0 : i32
        %dma_wait3A_114 = tpu.memref_slice %arg6[%dma_wait3A_112, %dma_wait3A_113] : memref<10112x144xf32, #tpu.memory_space<vmem_shared>> -> memref<10112x144xf32, #tpu.memory_space<vmem_shared>>
        tpu.wait_indirect_dma semaphore(%run_scoped3A_102 : memref<!tpu.dma_semaphore, #tpu.memory_space<semaphore_mem>>) src(%arg9 : memref<64x144xf32, #tpu.memory_space<vmem>>) dst(%dma_wait3A_114 : memref<10112x144xf32, #tpu.memory_space<vmem_shared>>)
        tpu.yield
      }) : () -> ()
      %add3A_71 = arith.constant 2 : i32
      %add3A_72 = arith.addi %add3A_64, %add3A_71 : i32
      %sub3A_73 = arith.constant 1 : i32
      %sub3A_74 = arith.subi %select_n3A, %sub3A_73 : i32
      %min3A = arith.minsi %add3A_72, %sub3A_74 : i32
      %dma_start3A_75 = arith.constant 0 : i32
      %dma_start3A_76 = tpu.memref_slice %arg7[%min3A, %dma_start3A_75] : memref<164x64xi32, #tpu.memory_space<vmem>> -> memref<1x64xi32, #tpu.memory_space<vmem>>
      %dma_start3A_77 = tpu.memref_squeeze %dma_start3A_76 : memref<1x64xi32, #tpu.memory_space<vmem>> -> memref<64xi32, #tpu.memory_space<vmem>>
      %dma_start3A_78 = arith.constant 0 : i32
      %dma_start3A_79 = arith.constant 0 : i32
      %dma_start3A_80 = tpu.memref_slice %arg2[%dma_start3A_78, %dma_start3A_79] : memref<10000x144xf32, #tpu.memory_space<hbm>> -> memref<10000x144xf32, #tpu.memory_space<hbm>>
      tpu.enqueue_indirect_dma source(%dma_start3A_80 : memref<10000x144xf32, #tpu.memory_space<hbm>>) target(%arg9 : memref<64x144xf32, #tpu.memory_space<vmem>>) offsets(%dma_start3A_77 : memref<64xi32, #tpu.memory_space<vmem>>) semaphore(%arg11 : memref<!tpu.dma_semaphore, #tpu.memory_space<semaphore_mem>>)
      %mul3A_81 = arith.constant 2 : i32
      %mul3A_82 = arith.muli %mul3A_81, %while3A_60 : i32
      %add3A_83 = arith.constant 1 : i32
      %add3A_84 = arith.addi %mul3A_82, %add3A_83 : i32
      %dma_wait3A_85 = arith.constant 0 : i32
      %dma_wait3A_86 = arith.constant 0 : i32
      %dma_wait3A_87 = tpu.memref_slice %arg2[%dma_wait3A_85, %dma_wait3A_86] : memref<10000x144xf32, #tpu.memory_space<hbm>> -> memref<64x144xf32, #tpu.memory_space<hbm>>
      %dma_wait3A_88 = arith.constant 0 : i32
      %dma_wait3A_89 = arith.constant 0 : i32
      %dma_wait3A_90 = tpu.memref_slice %arg2[%dma_wait3A_88, %dma_wait3A_89] : memref<10000x144xf32, #tpu.memory_space<hbm>> -> memref<64x144xf32, #tpu.memory_space<hbm>>
      tpu.wait_dma2 semaphore(%arg12 : memref<!tpu.dma_semaphore, #tpu.memory_space<semaphore_mem>>) src(%dma_wait3A_90 : memref<64x144xf32, #tpu.memory_space<hbm>>) dst(%arg10 : memref<64x144xf32, #tpu.memory_space<vmem>>)
      "tpu.region"() ({
        %run_scoped3A_102 = tpu.sem_alloc : memref<!tpu.dma_semaphore, #tpu.memory_space<semaphore_mem>>
        %dma_start3A_103 = arith.constant 0 : i32
        %dma_start3A_104 = tpu.memref_slice %arg8[%add3A_84, %dma_start3A_103] : memref<164x64xi32, #tpu.memory_space<vmem>> -> memref<1x64xi32, #tpu.memory_space<vmem>>
        %dma_start3A_105 = tpu.memref_squeeze %dma_start3A_104 : memref<1x64xi32, #tpu.memory_space<vmem>> -> memref<64xi32, #tpu.memory_space<vmem>>
        %dma_start3A_106 = arith.constant 0 : i32
        %dma_start3A_107 = arith.constant 0 : i32
        %dma_start3A_108 = tpu.memref_slice %arg6[%dma_start3A_106, %dma_start3A_107] : memref<10112x144xf32, #tpu.memory_space<vmem_shared>> -> memref<10112x144xf32, #tpu.memory_space<vmem_shared>>
        tpu.enqueue_indirect_dma source(%arg10 : memref<64x144xf32, #tpu.memory_space<vmem>>) target(%dma_start3A_108 : memref<10112x144xf32, #tpu.memory_space<vmem_shared>>) offsets(%dma_start3A_105 : memref<64xi32, #tpu.memory_space<vmem>>) semaphore(%run_scoped3A_102 : memref<!tpu.dma_semaphore, #tpu.memory_space<semaphore_mem>>) {add = true}
        %dma_wait3A_109 = arith.constant 0 : i32
        %dma_wait3A_110 = tpu.memref_slice %arg8[%add3A_84, %dma_wait3A_109] : memref<164x64xi32, #tpu.memory_space<vmem>> -> memref<1x64xi32, #tpu.memory_space<vmem>>
        %dma_wait3A_111 = tpu.memref_squeeze %dma_wait3A_110 : memref<1x64xi32, #tpu.memory_space<vmem>> -> memref<64xi32, #tpu.memory_space<vmem>>
        %dma_wait3A_112 = arith.constant 0 : i32
        %dma_wait3A_113 = arith.constant 0 : i32
        %dma_wait3A_114 = tpu.memref_slice %arg6[%dma_wait3A_112, %dma_wait3A_113] : memref<10112x144xf32, #tpu.memory_space<vmem_shared>> -> memref<10112x144xf32, #tpu.memory_space<vmem_shared>>
        tpu.wait_indirect_dma semaphore(%run_scoped3A_102 : memref<!tpu.dma_semaphore, #tpu.memory_space<semaphore_mem>>) src(%arg10 : memref<64x144xf32, #tpu.memory_space<vmem>>) dst(%dma_wait3A_114 : memref<10112x144xf32, #tpu.memory_space<vmem_shared>>)
        tpu.yield
      }) : () -> ()
      %add3A_91 = arith.constant 2 : i32
      %add3A_92 = arith.addi %add3A_84, %add3A_91 : i32
      %sub3A_93 = arith.constant 1 : i32
      %sub3A_94 = arith.subi %select_n3A, %sub3A_93 : i32
      %min3A_95 = arith.minsi %add3A_92, %sub3A_94 : i32
      %dma_start3A_96 = arith.constant 0 : i32
      %dma_start3A_97 = tpu.memref_slice %arg7[%min3A_95, %dma_start3A_96] : memref<164x64xi32, #tpu.memory_space<vmem>> -> memref<1x64xi32, #tpu.memory_space<vmem>>
      %dma_start3A_98 = tpu.memref_squeeze %dma_start3A_97 : memref<1x64xi32, #tpu.memory_space<vmem>> -> memref<64xi32, #tpu.memory_space<vmem>>
      %dma_start3A_99 = arith.constant 0 : i32
      %dma_start3A_100 = arith.constant 0 : i32
      %dma_start3A_101 = tpu.memref_slice %arg2[%dma_start3A_99, %dma_start3A_100] : memref<10000x144xf32, #tpu.memory_space<hbm>> -> memref<10000x144xf32, #tpu.memory_space<hbm>>
      tpu.enqueue_indirect_dma source(%dma_start3A_101 : memref<10000x144xf32, #tpu.memory_space<hbm>>) target(%arg10 : memref<64x144xf32, #tpu.memory_space<vmem>>) offsets(%dma_start3A_98 : memref<64xi32, #tpu.memory_space<vmem>>) semaphore(%arg12 : memref<!tpu.dma_semaphore, #tpu.memory_space<semaphore_mem>>)
    }
    %dma_wait3A = arith.constant 0 : i32
    %dma_wait3A_48 = arith.constant 0 : i32
    %dma_wait3A_49 = tpu.memref_slice %arg2[%dma_wait3A, %dma_wait3A_48] : memref<10000x144xf32, #tpu.memory_space<hbm>> -> memref<64x144xf32, #tpu.memory_space<hbm>>
    %dma_wait3A_50 = arith.constant 0 : i32
    %dma_wait3A_51 = arith.constant 0 : i32
    %dma_wait3A_52 = tpu.memref_slice %arg2[%dma_wait3A_50, %dma_wait3A_51] : memref<10000x144xf32, #tpu.memory_space<hbm>> -> memref<64x144xf32, #tpu.memory_space<hbm>>
    tpu.wait_dma2 semaphore(%arg11 : memref<!tpu.dma_semaphore, #tpu.memory_space<semaphore_mem>>) src(%dma_wait3A_52 : memref<64x144xf32, #tpu.memory_space<hbm>>) dst(%arg9 : memref<64x144xf32, #tpu.memory_space<vmem>>)
    %dma_wait3A_53 = arith.constant 0 : i32
    %dma_wait3A_54 = arith.constant 0 : i32
    %dma_wait3A_55 = tpu.memref_slice %arg2[%dma_wait3A_53, %dma_wait3A_54] : memref<10000x144xf32, #tpu.memory_space<hbm>> -> memref<64x144xf32, #tpu.memory_space<hbm>>
    %dma_wait3A_56 = arith.constant 0 : i32
    %dma_wait3A_57 = arith.constant 0 : i32
    %dma_wait3A_58 = tpu.memref_slice %arg2[%dma_wait3A_56, %dma_wait3A_57] : memref<10000x144xf32, #tpu.memory_space<hbm>> -> memref<64x144xf32, #tpu.memory_space<hbm>>
    tpu.wait_dma2 semaphore(%arg12 : memref<!tpu.dma_semaphore, #tpu.memory_space<semaphore_mem>>) src(%dma_wait3A_58 : memref<64x144xf32, #tpu.memory_space<hbm>>) dst(%arg10 : memref<64x144xf32, #tpu.memory_space<vmem>>)
    %barrier3A_59 = arith.constant 0 : index
    tpu.barrier barrier_id(%barrier3A_59)
    "tpu.region"() ({
      %run_scoped3A_60 = tpu.sem_alloc : memref<!tpu.dma_semaphore, #tpu.memory_space<semaphore_mem>>
      %dma_start3A_61 = arith.constant 0 : i32
      %dma_start3A_62 = tpu.memref_slice %arg5[%arg0, %mul3A_2, %dma_start3A_61] : memref<2x10112x144xf32, #tpu.memory_space<hbm>> -> memref<1x632x144xf32, #tpu.memory_space<hbm>>
      %dma_start3A_63 = tpu.memref_squeeze %dma_start3A_62 : memref<1x632x144xf32, #tpu.memory_space<hbm>> -> memref<632x144xf32, #tpu.memory_space<hbm>>
      %dma_start3A_64 = arith.constant 0 : i32
      %dma_start3A_65 = tpu.memref_slice %arg6[%mul3A_2, %dma_start3A_64] : memref<10112x144xf32, #tpu.memory_space<vmem_shared>> -> memref<632x144xf32, #tpu.memory_space<vmem_shared>>
      tpu.enqueue_dma source(%dma_start3A_65 : memref<632x144xf32, #tpu.memory_space<vmem_shared>>) target(%dma_start3A_63 : memref<632x144xf32, #tpu.memory_space<hbm>>) target_semaphore(%run_scoped3A_60 : memref<!tpu.dma_semaphore, #tpu.memory_space<semaphore_mem>>)
      %dma_wait3A_66 = arith.constant 0 : i32
      %dma_wait3A_67 = tpu.memref_slice %arg5[%arg0, %mul3A_2, %dma_wait3A_66] : memref<2x10112x144xf32, #tpu.memory_space<hbm>> -> memref<1x632x144xf32, #tpu.memory_space<hbm>>
      %dma_wait3A_68 = tpu.memref_squeeze %dma_wait3A_67 : memref<1x632x144xf32, #tpu.memory_space<hbm>> -> memref<632x144xf32, #tpu.memory_space<hbm>>
      %dma_wait3A_69 = arith.constant 0 : i32
      %dma_wait3A_70 = tpu.memref_slice %arg6[%mul3A_2, %dma_wait3A_69] : memref<10112x144xf32, #tpu.memory_space<vmem_shared>> -> memref<632x144xf32, #tpu.memory_space<vmem_shared>>
      tpu.wait_dma2 semaphore(%run_scoped3A_60 : memref<!tpu.dma_semaphore, #tpu.memory_space<semaphore_mem>>) src(%dma_wait3A_70 : memref<632x144xf32, #tpu.memory_space<vmem_shared>>) dst(%dma_wait3A_68 : memref<632x144xf32, #tpu.memory_space<hbm>>)
      tpu.yield
    }) : () -> ()
    return
  }
}

#map = affine_map<(d0, d1) -> (0, 0)>
#map1 = affine_map<(d0, d1) -> (0, 0, 0)>
module attributes {stable_mosaic.version = 14 : i64} {
  func.func @k(%arg0: i32, %arg1: i32, %arg2: memref<10000x128xf32, #tpu.memory_space<hbm>>, %arg3: memref<2x5000x64xi32, #tpu.memory_space<hbm>>, %arg4: memref<10112x128xf32, #tpu.memory_space<hbm>>, %arg5: memref<2x10112x128xf32, #tpu.memory_space<hbm>>, %arg6: memref<10112x128xf32, #tpu.memory_space<vmem_shared>>, %arg7: memref<164x64xi32, #tpu.memory_space<vmem>>, %arg8: memref<164x64xi32, #tpu.memory_space<vmem>>, %arg9: memref<64x128xf32, #tpu.memory_space<vmem>>, %arg10: memref<64x128xf32, #tpu.memory_space<vmem>>, %arg11: memref<!tpu.dma_semaphore, #tpu.memory_space<semaphore_mem>>, %arg12: memref<!tpu.dma_semaphore, #tpu.memory_space<semaphore_mem>>) attributes {dimension_semantics = [#tpu.dimension_semantics<core_parallel>, #tpu.dimension_semantics<subcore_parallel>], iteration_bounds = array<i64: 2, 16>, scalar_prefetch = 0 : i64, scratch_operands = 7 : i64, tpu.core_type = #tpu.core_type<sc_vector_subcore>, window_params = [{transform_indices = #map}, {transform_indices = #map1}, {transform_indices = #map}, {transform_indices = #map1}]} {
    %mul3A = arith.constant 16 : i32
    %mul3A_0 = arith.muli %arg0, %mul3A : i32
    %add3A = arith.addi %mul3A_0, %arg1 : i32
    %mul3A_1 = arith.constant 632 : i32
    %mul3A_2 = arith.muli %arg1, %mul3A_1 : i32
    %mul3A_3 = arith.constant 156 : i32
    %mul3A_4 = arith.muli %add3A, %mul3A_3 : i32
    %run_scoped3A = arith.constant 0 : i32
    "tpu.region"() ({
      %run_scoped3A_60 = tpu.sem_alloc : memref<!tpu.dma_semaphore, #tpu.memory_space<semaphore_mem>>
      %dma_start3A_61 = arith.constant 0 : i32
      %dma_start3A_62 = tpu.memref_slice %arg3[%run_scoped3A, %mul3A_4, %dma_start3A_61] : memref<2x5000x64xi32, #tpu.memory_space<hbm>> -> memref<1x164x64xi32, #tpu.memory_space<hbm>>
      %dma_start3A_63 = tpu.memref_squeeze %dma_start3A_62 : memref<1x164x64xi32, #tpu.memory_space<hbm>> -> memref<164x64xi32, #tpu.memory_space<hbm>>
      %dma_start3A_64 = arith.constant 0 : i32
      %dma_start3A_65 = tpu.memref_slice %arg3[%run_scoped3A, %mul3A_4, %dma_start3A_64] : memref<2x5000x64xi32, #tpu.memory_space<hbm>> -> memref<1x164x64xi32, #tpu.memory_space<hbm>>
      %dma_start3A_66 = tpu.memref_squeeze %dma_start3A_65 : memref<1x164x64xi32, #tpu.memory_space<hbm>> -> memref<164x64xi32, #tpu.memory_space<hbm>>
      tpu.enqueue_dma source(%dma_start3A_66 : memref<164x64xi32, #tpu.memory_space<hbm>>) target(%arg7 : memref<164x64xi32, #tpu.memory_space<vmem>>) target_semaphore(%run_scoped3A_60 : memref<!tpu.dma_semaphore, #tpu.memory_space<semaphore_mem>>)
      %dma_wait3A_67 = arith.constant 0 : i32
      %dma_wait3A_68 = tpu.memref_slice %arg3[%run_scoped3A, %mul3A_4, %dma_wait3A_67] : memref<2x5000x64xi32, #tpu.memory_space<hbm>> -> memref<1x164x64xi32, #tpu.memory_space<hbm>>
      %dma_wait3A_69 = tpu.memref_squeeze %dma_wait3A_68 : memref<1x164x64xi32, #tpu.memory_space<hbm>> -> memref<164x64xi32, #tpu.memory_space<hbm>>
      %dma_wait3A_70 = arith.constant 0 : i32
      %dma_wait3A_71 = tpu.memref_slice %arg3[%run_scoped3A, %mul3A_4, %dma_wait3A_70] : memref<2x5000x64xi32, #tpu.memory_space<hbm>> -> memref<1x164x64xi32, #tpu.memory_space<hbm>>
      %dma_wait3A_72 = tpu.memref_squeeze %dma_wait3A_71 : memref<1x164x64xi32, #tpu.memory_space<hbm>> -> memref<164x64xi32, #tpu.memory_space<hbm>>
      tpu.wait_dma2 semaphore(%run_scoped3A_60 : memref<!tpu.dma_semaphore, #tpu.memory_space<semaphore_mem>>) src(%dma_wait3A_72 : memref<164x64xi32, #tpu.memory_space<hbm>>) dst(%arg7 : memref<164x64xi32, #tpu.memory_space<vmem>>)
      tpu.yield
    }) : () -> ()
    %run_scoped3A_5 = arith.constant 1 : i32
    "tpu.region"() ({
      %run_scoped3A_60 = tpu.sem_alloc : memref<!tpu.dma_semaphore, #tpu.memory_space<semaphore_mem>>
      %dma_start3A_61 = arith.constant 0 : i32
      %dma_start3A_62 = tpu.memref_slice %arg3[%run_scoped3A_5, %mul3A_4, %dma_start3A_61] : memref<2x5000x64xi32, #tpu.memory_space<hbm>> -> memref<1x164x64xi32, #tpu.memory_space<hbm>>
      %dma_start3A_63 = tpu.memref_squeeze %dma_start3A_62 : memref<1x164x64xi32, #tpu.memory_space<hbm>> -> memref<164x64xi32, #tpu.memory_space<hbm>>
      %dma_start3A_64 = arith.constant 0 : i32
      %dma_start3A_65 = tpu.memref_slice %arg3[%run_scoped3A_5, %mul3A_4, %dma_start3A_64] : memref<2x5000x64xi32, #tpu.memory_space<hbm>> -> memref<1x164x64xi32, #tpu.memory_space<hbm>>
      %dma_start3A_66 = tpu.memref_squeeze %dma_start3A_65 : memref<1x164x64xi32, #tpu.memory_space<hbm>> -> memref<164x64xi32, #tpu.memory_space<hbm>>
      tpu.enqueue_dma source(%dma_start3A_66 : memref<164x64xi32, #tpu.memory_space<hbm>>) target(%arg8 : memref<164x64xi32, #tpu.memory_space<vmem>>) target_semaphore(%run_scoped3A_60 : memref<!tpu.dma_semaphore, #tpu.memory_space<semaphore_mem>>)
      %dma_wait3A_67 = arith.constant 0 : i32
      %dma_wait3A_68 = tpu.memref_slice %arg3[%run_scoped3A_5, %mul3A_4, %dma_wait3A_67] : memref<2x5000x64xi32, #tpu.memory_space<hbm>> -> memref<1x164x64xi32, #tpu.memory_space<hbm>>
      %dma_wait3A_69 = tpu.memref_squeeze %dma_wait3A_68 : memref<1x164x64xi32, #tpu.memory_space<hbm>> -> memref<164x64xi32, #tpu.memory_space<hbm>>
      %dma_wait3A_70 = arith.constant 0 : i32
      %dma_wait3A_71 = tpu.memref_slice %arg3[%run_scoped3A_5, %mul3A_4, %dma_wait3A_70] : memref<2x5000x64xi32, #tpu.memory_space<hbm>> -> memref<1x164x64xi32, #tpu.memory_space<hbm>>
      %dma_wait3A_72 = tpu.memref_squeeze %dma_wait3A_71 : memref<1x164x64xi32, #tpu.memory_space<hbm>> -> memref<164x64xi32, #tpu.memory_space<hbm>>
      tpu.wait_dma2 semaphore(%run_scoped3A_60 : memref<!tpu.dma_semaphore, #tpu.memory_space<semaphore_mem>>) src(%dma_wait3A_72 : memref<164x64xi32, #tpu.memory_space<hbm>>) dst(%arg8 : memref<164x64xi32, #tpu.memory_space<vmem>>)
      tpu.yield
    }) : () -> ()
    %eq3A = arith.constant 31 : i32
    %eq3A_6 = arith.cmpi eq, %add3A, %eq3A : i32
    %jit3A = arith.constant 164 : i32
    %jit3A_7 = arith.constant 156 : i32
    %select_n3A = arith.select %eq3A_6, %jit3A, %jit3A_7 : i32
    %dma_start3A = arith.constant 0 : i32
    %dma_start3A_8 = arith.constant 0 : i32
    %dma_start3A_9 = tpu.memref_slice %arg7[%dma_start3A, %dma_start3A_8] : memref<164x64xi32, #tpu.memory_space<vmem>> -> memref<1x64xi32, #tpu.memory_space<vmem>>
    %dma_start3A_10 = tpu.memref_squeeze %dma_start3A_9 : memref<1x64xi32, #tpu.memory_space<vmem>> -> memref<64xi32, #tpu.memory_space<vmem>>
    %dma_start3A_11 = arith.constant 0 : i32
    %dma_start3A_12 = arith.constant 0 : i32
    %dma_start3A_13 = tpu.memref_slice %arg2[%dma_start3A_11, %dma_start3A_12] : memref<10000x128xf32, #tpu.memory_space<hbm>> -> memref<10000x128xf32, #tpu.memory_space<hbm>>
    tpu.enqueue_indirect_dma source(%dma_start3A_13 : memref<10000x128xf32, #tpu.memory_space<hbm>>) target(%arg9 : memref<64x128xf32, #tpu.memory_space<vmem>>) offsets(%dma_start3A_10 : memref<64xi32, #tpu.memory_space<vmem>>) semaphore(%arg11 : memref<!tpu.dma_semaphore, #tpu.memory_space<semaphore_mem>>)
    %dma_start3A_14 = arith.constant 1 : i32
    %dma_start3A_15 = arith.constant 0 : i32
    %dma_start3A_16 = tpu.memref_slice %arg7[%dma_start3A_14, %dma_start3A_15] : memref<164x64xi32, #tpu.memory_space<vmem>> -> memref<1x64xi32, #tpu.memory_space<vmem>>
    %dma_start3A_17 = tpu.memref_squeeze %dma_start3A_16 : memref<1x64xi32, #tpu.memory_space<vmem>> -> memref<64xi32, #tpu.memory_space<vmem>>
    %dma_start3A_18 = arith.constant 0 : i32
    %dma_start3A_19 = arith.constant 0 : i32
    %dma_start3A_20 = tpu.memref_slice %arg2[%dma_start3A_18, %dma_start3A_19] : memref<10000x128xf32, #tpu.memory_space<hbm>> -> memref<10000x128xf32, #tpu.memory_space<hbm>>
    tpu.enqueue_indirect_dma source(%dma_start3A_20 : memref<10000x128xf32, #tpu.memory_space<hbm>>) target(%arg10 : memref<64x128xf32, #tpu.memory_space<vmem>>) offsets(%dma_start3A_17 : memref<64xi32, #tpu.memory_space<vmem>>) semaphore(%arg12 : memref<!tpu.dma_semaphore, #tpu.memory_space<semaphore_mem>>)
    "tpu.region"() ({
      %run_scoped3A_60 = tpu.sem_alloc : memref<!tpu.dma_semaphore, #tpu.memory_space<semaphore_mem>>
      %dma_start3A_61 = arith.constant 0 : i32
      %dma_start3A_62 = tpu.memref_slice %arg6[%mul3A_2, %dma_start3A_61] : memref<10112x128xf32, #tpu.memory_space<vmem_shared>> -> memref<632x128xf32, #tpu.memory_space<vmem_shared>>
      %dma_start3A_63 = arith.constant 0 : i32
      %dma_start3A_64 = tpu.memref_slice %arg4[%mul3A_2, %dma_start3A_63] : memref<10112x128xf32, #tpu.memory_space<hbm>> -> memref<632x128xf32, #tpu.memory_space<hbm>>
      tpu.enqueue_dma source(%dma_start3A_64 : memref<632x128xf32, #tpu.memory_space<hbm>>) target(%dma_start3A_62 : memref<632x128xf32, #tpu.memory_space<vmem_shared>>) target_semaphore(%run_scoped3A_60 : memref<!tpu.dma_semaphore, #tpu.memory_space<semaphore_mem>>)
      %dma_wait3A_65 = arith.constant 0 : i32
      %dma_wait3A_66 = tpu.memref_slice %arg6[%mul3A_2, %dma_wait3A_65] : memref<10112x128xf32, #tpu.memory_space<vmem_shared>> -> memref<632x128xf32, #tpu.memory_space<vmem_shared>>
      %dma_wait3A_67 = arith.constant 0 : i32
      %dma_wait3A_68 = tpu.memref_slice %arg4[%mul3A_2, %dma_wait3A_67] : memref<10112x128xf32, #tpu.memory_space<hbm>> -> memref<632x128xf32, #tpu.memory_space<hbm>>
      tpu.wait_dma2 semaphore(%run_scoped3A_60 : memref<!tpu.dma_semaphore, #tpu.memory_space<semaphore_mem>>) src(%dma_wait3A_68 : memref<632x128xf32, #tpu.memory_space<hbm>>) dst(%dma_wait3A_66 : memref<632x128xf32, #tpu.memory_space<vmem_shared>>)
      tpu.yield
    }) : () -> ()
    %barrier3A = arith.constant 0 : index
    tpu.barrier barrier_id(%barrier3A)
    %jit3A_21 = arith.constant 2 : i32
    %div3A = arith.divsi %select_n3A, %jit3A_21 : i32
    %sign3A = arith.constant 0 : i32
    %sign3A_22 = arith.cmpi sgt, %select_n3A, %sign3A : i32
    %sign3A_23 = arith.extui %sign3A_22 : i1 to i32
    %sign3A_24 = arith.constant 0 : i32
    %sign3A_25 = arith.cmpi slt, %select_n3A, %sign3A_24 : i32
    %sign3A_26 = arith.extui %sign3A_25 : i1 to i32
    %sign3A_27 = arith.subi %sign3A_23, %sign3A_26 : i32
    %sign3A_28 = arith.constant 0 : i32
    %sign3A_29 = arith.cmpi sgt, %jit3A_21, %sign3A_28 : i32
    %sign3A_30 = arith.extui %sign3A_29 : i1 to i32
    %sign3A_31 = arith.constant 0 : i32
    %sign3A_32 = arith.cmpi slt, %jit3A_21, %sign3A_31 : i32
    %sign3A_33 = arith.extui %sign3A_32 : i1 to i32
    %sign3A_34 = arith.subi %sign3A_30, %sign3A_33 : i32
    %ne3A = arith.cmpi ne, %sign3A_27, %sign3A_34 : i32
    %rem3A = arith.remsi %select_n3A, %jit3A_21 : i32
    %ne3A_35 = arith.constant 0 : i32
    %ne3A_36 = arith.cmpi ne, %rem3A, %ne3A_35 : i32
    %and3A = arith.andi %ne3A, %ne3A_36 : i1
    %sub3A = arith.constant 1 : i32
    %sub3A_37 = arith.subi %div3A, %sub3A : i32
    %select_n3A_38 = arith.select %and3A, %sub3A_37, %div3A : i32
    %while3A = arith.constant 0 : i32
    %while3A_39 = arith.constant 0 : i32
    %while3A_40 = arith.subi %select_n3A_38, %while3A_39 : i32
    %while3A_41 = arith.addi %while3A_39, %while3A_40 : i32
    %while3A_42 = arith.constant 1 : i32
    %while3A_43 = arith.divsi %while3A_40, %while3A_42 : i32
    %while3A_44 = arith.muli %while3A_43, %while3A_42 : i32
    %while3A_45 = arith.addi %while3A_39, %while3A_44 : i32
    %while3A_46 = arith.constant 1 : i32
    scf.for %while3A_60 = %while3A_39 to %while3A_45 step %while3A_46  : i32 {
      %mul3A_61 = arith.constant 2 : i32
      %mul3A_62 = arith.muli %mul3A_61, %while3A_60 : i32
      %add3A_63 = arith.constant 0 : i32
      %add3A_64 = arith.addi %mul3A_62, %add3A_63 : i32
      %dma_wait3A_65 = arith.constant 0 : i32
      %dma_wait3A_66 = arith.constant 0 : i32
      %dma_wait3A_67 = tpu.memref_slice %arg2[%dma_wait3A_65, %dma_wait3A_66] : memref<10000x128xf32, #tpu.memory_space<hbm>> -> memref<64x128xf32, #tpu.memory_space<hbm>>
      %dma_wait3A_68 = arith.constant 0 : i32
      %dma_wait3A_69 = arith.constant 0 : i32
      %dma_wait3A_70 = tpu.memref_slice %arg2[%dma_wait3A_68, %dma_wait3A_69] : memref<10000x128xf32, #tpu.memory_space<hbm>> -> memref<64x128xf32, #tpu.memory_space<hbm>>
      tpu.wait_dma2 semaphore(%arg11 : memref<!tpu.dma_semaphore, #tpu.memory_space<semaphore_mem>>) src(%dma_wait3A_70 : memref<64x128xf32, #tpu.memory_space<hbm>>) dst(%arg9 : memref<64x128xf32, #tpu.memory_space<vmem>>)
      "tpu.region"() ({
        %run_scoped3A_102 = tpu.sem_alloc : memref<!tpu.dma_semaphore, #tpu.memory_space<semaphore_mem>>
        %dma_start3A_103 = arith.constant 0 : i32
        %dma_start3A_104 = tpu.memref_slice %arg8[%add3A_64, %dma_start3A_103] : memref<164x64xi32, #tpu.memory_space<vmem>> -> memref<1x64xi32, #tpu.memory_space<vmem>>
        %dma_start3A_105 = tpu.memref_squeeze %dma_start3A_104 : memref<1x64xi32, #tpu.memory_space<vmem>> -> memref<64xi32, #tpu.memory_space<vmem>>
        %dma_start3A_106 = arith.constant 0 : i32
        %dma_start3A_107 = arith.constant 0 : i32
        %dma_start3A_108 = tpu.memref_slice %arg6[%dma_start3A_106, %dma_start3A_107] : memref<10112x128xf32, #tpu.memory_space<vmem_shared>> -> memref<10112x128xf32, #tpu.memory_space<vmem_shared>>
        tpu.enqueue_indirect_dma source(%arg9 : memref<64x128xf32, #tpu.memory_space<vmem>>) target(%dma_start3A_108 : memref<10112x128xf32, #tpu.memory_space<vmem_shared>>) offsets(%dma_start3A_105 : memref<64xi32, #tpu.memory_space<vmem>>) semaphore(%run_scoped3A_102 : memref<!tpu.dma_semaphore, #tpu.memory_space<semaphore_mem>>) {add = true}
        %dma_wait3A_109 = arith.constant 0 : i32
        %dma_wait3A_110 = tpu.memref_slice %arg8[%add3A_64, %dma_wait3A_109] : memref<164x64xi32, #tpu.memory_space<vmem>> -> memref<1x64xi32, #tpu.memory_space<vmem>>
        %dma_wait3A_111 = tpu.memref_squeeze %dma_wait3A_110 : memref<1x64xi32, #tpu.memory_space<vmem>> -> memref<64xi32, #tpu.memory_space<vmem>>
        %dma_wait3A_112 = arith.constant 0 : i32
        %dma_wait3A_113 = arith.constant 0 : i32
        %dma_wait3A_114 = tpu.memref_slice %arg6[%dma_wait3A_112, %dma_wait3A_113] : memref<10112x128xf32, #tpu.memory_space<vmem_shared>> -> memref<10112x128xf32, #tpu.memory_space<vmem_shared>>
        tpu.wait_indirect_dma semaphore(%run_scoped3A_102 : memref<!tpu.dma_semaphore, #tpu.memory_space<semaphore_mem>>) src(%arg9 : memref<64x128xf32, #tpu.memory_space<vmem>>) dst(%dma_wait3A_114 : memref<10112x128xf32, #tpu.memory_space<vmem_shared>>)
        tpu.yield
      }) : () -> ()
      %add3A_71 = arith.constant 2 : i32
      %add3A_72 = arith.addi %add3A_64, %add3A_71 : i32
      %sub3A_73 = arith.constant 1 : i32
      %sub3A_74 = arith.subi %select_n3A, %sub3A_73 : i32
      %min3A = arith.minsi %add3A_72, %sub3A_74 : i32
      %dma_start3A_75 = arith.constant 0 : i32
      %dma_start3A_76 = tpu.memref_slice %arg7[%min3A, %dma_start3A_75] : memref<164x64xi32, #tpu.memory_space<vmem>> -> memref<1x64xi32, #tpu.memory_space<vmem>>
      %dma_start3A_77 = tpu.memref_squeeze %dma_start3A_76 : memref<1x64xi32, #tpu.memory_space<vmem>> -> memref<64xi32, #tpu.memory_space<vmem>>
      %dma_start3A_78 = arith.constant 0 : i32
      %dma_start3A_79 = arith.constant 0 : i32
      %dma_start3A_80 = tpu.memref_slice %arg2[%dma_start3A_78, %dma_start3A_79] : memref<10000x128xf32, #tpu.memory_space<hbm>> -> memref<10000x128xf32, #tpu.memory_space<hbm>>
      tpu.enqueue_indirect_dma source(%dma_start3A_80 : memref<10000x128xf32, #tpu.memory_space<hbm>>) target(%arg9 : memref<64x128xf32, #tpu.memory_space<vmem>>) offsets(%dma_start3A_77 : memref<64xi32, #tpu.memory_space<vmem>>) semaphore(%arg11 : memref<!tpu.dma_semaphore, #tpu.memory_space<semaphore_mem>>)
      %mul3A_81 = arith.constant 2 : i32
      %mul3A_82 = arith.muli %mul3A_81, %while3A_60 : i32
      %add3A_83 = arith.constant 1 : i32
      %add3A_84 = arith.addi %mul3A_82, %add3A_83 : i32
      %dma_wait3A_85 = arith.constant 0 : i32
      %dma_wait3A_86 = arith.constant 0 : i32
      %dma_wait3A_87 = tpu.memref_slice %arg2[%dma_wait3A_85, %dma_wait3A_86] : memref<10000x128xf32, #tpu.memory_space<hbm>> -> memref<64x128xf32, #tpu.memory_space<hbm>>
      %dma_wait3A_88 = arith.constant 0 : i32
      %dma_wait3A_89 = arith.constant 0 : i32
      %dma_wait3A_90 = tpu.memref_slice %arg2[%dma_wait3A_88, %dma_wait3A_89] : memref<10000x128xf32, #tpu.memory_space<hbm>> -> memref<64x128xf32, #tpu.memory_space<hbm>>
      tpu.wait_dma2 semaphore(%arg12 : memref<!tpu.dma_semaphore, #tpu.memory_space<semaphore_mem>>) src(%dma_wait3A_90 : memref<64x128xf32, #tpu.memory_space<hbm>>) dst(%arg10 : memref<64x128xf32, #tpu.memory_space<vmem>>)
      "tpu.region"() ({
        %run_scoped3A_102 = tpu.sem_alloc : memref<!tpu.dma_semaphore, #tpu.memory_space<semaphore_mem>>
        %dma_start3A_103 = arith.constant 0 : i32
        %dma_start3A_104 = tpu.memref_slice %arg8[%add3A_84, %dma_start3A_103] : memref<164x64xi32, #tpu.memory_space<vmem>> -> memref<1x64xi32, #tpu.memory_space<vmem>>
        %dma_start3A_105 = tpu.memref_squeeze %dma_start3A_104 : memref<1x64xi32, #tpu.memory_space<vmem>> -> memref<64xi32, #tpu.memory_space<vmem>>
        %dma_start3A_106 = arith.constant 0 : i32
        %dma_start3A_107 = arith.constant 0 : i32
        %dma_start3A_108 = tpu.memref_slice %arg6[%dma_start3A_106, %dma_start3A_107] : memref<10112x128xf32, #tpu.memory_space<vmem_shared>> -> memref<10112x128xf32, #tpu.memory_space<vmem_shared>>
        tpu.enqueue_indirect_dma source(%arg10 : memref<64x128xf32, #tpu.memory_space<vmem>>) target(%dma_start3A_108 : memref<10112x128xf32, #tpu.memory_space<vmem_shared>>) offsets(%dma_start3A_105 : memref<64xi32, #tpu.memory_space<vmem>>) semaphore(%run_scoped3A_102 : memref<!tpu.dma_semaphore, #tpu.memory_space<semaphore_mem>>) {add = true}
        %dma_wait3A_109 = arith.constant 0 : i32
        %dma_wait3A_110 = tpu.memref_slice %arg8[%add3A_84, %dma_wait3A_109] : memref<164x64xi32, #tpu.memory_space<vmem>> -> memref<1x64xi32, #tpu.memory_space<vmem>>
        %dma_wait3A_111 = tpu.memref_squeeze %dma_wait3A_110 : memref<1x64xi32, #tpu.memory_space<vmem>> -> memref<64xi32, #tpu.memory_space<vmem>>
        %dma_wait3A_112 = arith.constant 0 : i32
        %dma_wait3A_113 = arith.constant 0 : i32
        %dma_wait3A_114 = tpu.memref_slice %arg6[%dma_wait3A_112, %dma_wait3A_113] : memref<10112x128xf32, #tpu.memory_space<vmem_shared>> -> memref<10112x128xf32, #tpu.memory_space<vmem_shared>>
        tpu.wait_indirect_dma semaphore(%run_scoped3A_102 : memref<!tpu.dma_semaphore, #tpu.memory_space<semaphore_mem>>) src(%arg10 : memref<64x128xf32, #tpu.memory_space<vmem>>) dst(%dma_wait3A_114 : memref<10112x128xf32, #tpu.memory_space<vmem_shared>>)
        tpu.yield
      }) : () -> ()
      %add3A_91 = arith.constant 2 : i32
      %add3A_92 = arith.addi %add3A_84, %add3A_91 : i32
      %sub3A_93 = arith.constant 1 : i32
      %sub3A_94 = arith.subi %select_n3A, %sub3A_93 : i32
      %min3A_95 = arith.minsi %add3A_92, %sub3A_94 : i32
      %dma_start3A_96 = arith.constant 0 : i32
      %dma_start3A_97 = tpu.memref_slice %arg7[%min3A_95, %dma_start3A_96] : memref<164x64xi32, #tpu.memory_space<vmem>> -> memref<1x64xi32, #tpu.memory_space<vmem>>
      %dma_start3A_98 = tpu.memref_squeeze %dma_start3A_97 : memref<1x64xi32, #tpu.memory_space<vmem>> -> memref<64xi32, #tpu.memory_space<vmem>>
      %dma_start3A_99 = arith.constant 0 : i32
      %dma_start3A_100 = arith.constant 0 : i32
      %dma_start3A_101 = tpu.memref_slice %arg2[%dma_start3A_99, %dma_start3A_100] : memref<10000x128xf32, #tpu.memory_space<hbm>> -> memref<10000x128xf32, #tpu.memory_space<hbm>>
      tpu.enqueue_indirect_dma source(%dma_start3A_101 : memref<10000x128xf32, #tpu.memory_space<hbm>>) target(%arg10 : memref<64x128xf32, #tpu.memory_space<vmem>>) offsets(%dma_start3A_98 : memref<64xi32, #tpu.memory_space<vmem>>) semaphore(%arg12 : memref<!tpu.dma_semaphore, #tpu.memory_space<semaphore_mem>>)
    }
    %while3A_47 = arith.constant 1 : i32
    scf.for %while3A_60 = %while3A_45 to %while3A_41 step %while3A_47  : i32 {
      %mul3A_61 = arith.constant 2 : i32
      %mul3A_62 = arith.muli %mul3A_61, %while3A_60 : i32
      %add3A_63 = arith.constant 0 : i32
      %add3A_64 = arith.addi %mul3A_62, %add3A_63 : i32
      %dma_wait3A_65 = arith.constant 0 : i32
      %dma_wait3A_66 = arith.constant 0 : i32
      %dma_wait3A_67 = tpu.memref_slice %arg2[%dma_wait3A_65, %dma_wait3A_66] : memref<10000x128xf32, #tpu.memory_space<hbm>> -> memref<64x128xf32, #tpu.memory_space<hbm>>
      %dma_wait3A_68 = arith.constant 0 : i32
      %dma_wait3A_69 = arith.constant 0 : i32
      %dma_wait3A_70 = tpu.memref_slice %arg2[%dma_wait3A_68, %dma_wait3A_69] : memref<10000x128xf32, #tpu.memory_space<hbm>> -> memref<64x128xf32, #tpu.memory_space<hbm>>
      tpu.wait_dma2 semaphore(%arg11 : memref<!tpu.dma_semaphore, #tpu.memory_space<semaphore_mem>>) src(%dma_wait3A_70 : memref<64x128xf32, #tpu.memory_space<hbm>>) dst(%arg9 : memref<64x128xf32, #tpu.memory_space<vmem>>)
      "tpu.region"() ({
        %run_scoped3A_102 = tpu.sem_alloc : memref<!tpu.dma_semaphore, #tpu.memory_space<semaphore_mem>>
        %dma_start3A_103 = arith.constant 0 : i32
        %dma_start3A_104 = tpu.memref_slice %arg8[%add3A_64, %dma_start3A_103] : memref<164x64xi32, #tpu.memory_space<vmem>> -> memref<1x64xi32, #tpu.memory_space<vmem>>
        %dma_start3A_105 = tpu.memref_squeeze %dma_start3A_104 : memref<1x64xi32, #tpu.memory_space<vmem>> -> memref<64xi32, #tpu.memory_space<vmem>>
        %dma_start3A_106 = arith.constant 0 : i32
        %dma_start3A_107 = arith.constant 0 : i32
        %dma_start3A_108 = tpu.memref_slice %arg6[%dma_start3A_106, %dma_start3A_107] : memref<10112x128xf32, #tpu.memory_space<vmem_shared>> -> memref<10112x128xf32, #tpu.memory_space<vmem_shared>>
        tpu.enqueue_indirect_dma source(%arg9 : memref<64x128xf32, #tpu.memory_space<vmem>>) target(%dma_start3A_108 : memref<10112x128xf32, #tpu.memory_space<vmem_shared>>) offsets(%dma_start3A_105 : memref<64xi32, #tpu.memory_space<vmem>>) semaphore(%run_scoped3A_102 : memref<!tpu.dma_semaphore, #tpu.memory_space<semaphore_mem>>) {add = true}
        %dma_wait3A_109 = arith.constant 0 : i32
        %dma_wait3A_110 = tpu.memref_slice %arg8[%add3A_64, %dma_wait3A_109] : memref<164x64xi32, #tpu.memory_space<vmem>> -> memref<1x64xi32, #tpu.memory_space<vmem>>
        %dma_wait3A_111 = tpu.memref_squeeze %dma_wait3A_110 : memref<1x64xi32, #tpu.memory_space<vmem>> -> memref<64xi32, #tpu.memory_space<vmem>>
        %dma_wait3A_112 = arith.constant 0 : i32
        %dma_wait3A_113 = arith.constant 0 : i32
        %dma_wait3A_114 = tpu.memref_slice %arg6[%dma_wait3A_112, %dma_wait3A_113] : memref<10112x128xf32, #tpu.memory_space<vmem_shared>> -> memref<10112x128xf32, #tpu.memory_space<vmem_shared>>
        tpu.wait_indirect_dma semaphore(%run_scoped3A_102 : memref<!tpu.dma_semaphore, #tpu.memory_space<semaphore_mem>>) src(%arg9 : memref<64x128xf32, #tpu.memory_space<vmem>>) dst(%dma_wait3A_114 : memref<10112x128xf32, #tpu.memory_space<vmem_shared>>)
        tpu.yield
      }) : () -> ()
      %add3A_71 = arith.constant 2 : i32
      %add3A_72 = arith.addi %add3A_64, %add3A_71 : i32
      %sub3A_73 = arith.constant 1 : i32
      %sub3A_74 = arith.subi %select_n3A, %sub3A_73 : i32
      %min3A = arith.minsi %add3A_72, %sub3A_74 : i32
      %dma_start3A_75 = arith.constant 0 : i32
      %dma_start3A_76 = tpu.memref_slice %arg7[%min3A, %dma_start3A_75] : memref<164x64xi32, #tpu.memory_space<vmem>> -> memref<1x64xi32, #tpu.memory_space<vmem>>
      %dma_start3A_77 = tpu.memref_squeeze %dma_start3A_76 : memref<1x64xi32, #tpu.memory_space<vmem>> -> memref<64xi32, #tpu.memory_space<vmem>>
      %dma_start3A_78 = arith.constant 0 : i32
      %dma_start3A_79 = arith.constant 0 : i32
      %dma_start3A_80 = tpu.memref_slice %arg2[%dma_start3A_78, %dma_start3A_79] : memref<10000x128xf32, #tpu.memory_space<hbm>> -> memref<10000x128xf32, #tpu.memory_space<hbm>>
      tpu.enqueue_indirect_dma source(%dma_start3A_80 : memref<10000x128xf32, #tpu.memory_space<hbm>>) target(%arg9 : memref<64x128xf32, #tpu.memory_space<vmem>>) offsets(%dma_start3A_77 : memref<64xi32, #tpu.memory_space<vmem>>) semaphore(%arg11 : memref<!tpu.dma_semaphore, #tpu.memory_space<semaphore_mem>>)
      %mul3A_81 = arith.constant 2 : i32
      %mul3A_82 = arith.muli %mul3A_81, %while3A_60 : i32
      %add3A_83 = arith.constant 1 : i32
      %add3A_84 = arith.addi %mul3A_82, %add3A_83 : i32
      %dma_wait3A_85 = arith.constant 0 : i32
      %dma_wait3A_86 = arith.constant 0 : i32
      %dma_wait3A_87 = tpu.memref_slice %arg2[%dma_wait3A_85, %dma_wait3A_86] : memref<10000x128xf32, #tpu.memory_space<hbm>> -> memref<64x128xf32, #tpu.memory_space<hbm>>
      %dma_wait3A_88 = arith.constant 0 : i32
      %dma_wait3A_89 = arith.constant 0 : i32
      %dma_wait3A_90 = tpu.memref_slice %arg2[%dma_wait3A_88, %dma_wait3A_89] : memref<10000x128xf32, #tpu.memory_space<hbm>> -> memref<64x128xf32, #tpu.memory_space<hbm>>
      tpu.wait_dma2 semaphore(%arg12 : memref<!tpu.dma_semaphore, #tpu.memory_space<semaphore_mem>>) src(%dma_wait3A_90 : memref<64x128xf32, #tpu.memory_space<hbm>>) dst(%arg10 : memref<64x128xf32, #tpu.memory_space<vmem>>)
      "tpu.region"() ({
        %run_scoped3A_102 = tpu.sem_alloc : memref<!tpu.dma_semaphore, #tpu.memory_space<semaphore_mem>>
        %dma_start3A_103 = arith.constant 0 : i32
        %dma_start3A_104 = tpu.memref_slice %arg8[%add3A_84, %dma_start3A_103] : memref<164x64xi32, #tpu.memory_space<vmem>> -> memref<1x64xi32, #tpu.memory_space<vmem>>
        %dma_start3A_105 = tpu.memref_squeeze %dma_start3A_104 : memref<1x64xi32, #tpu.memory_space<vmem>> -> memref<64xi32, #tpu.memory_space<vmem>>
        %dma_start3A_106 = arith.constant 0 : i32
        %dma_start3A_107 = arith.constant 0 : i32
        %dma_start3A_108 = tpu.memref_slice %arg6[%dma_start3A_106, %dma_start3A_107] : memref<10112x128xf32, #tpu.memory_space<vmem_shared>> -> memref<10112x128xf32, #tpu.memory_space<vmem_shared>>
        tpu.enqueue_indirect_dma source(%arg10 : memref<64x128xf32, #tpu.memory_space<vmem>>) target(%dma_start3A_108 : memref<10112x128xf32, #tpu.memory_space<vmem_shared>>) offsets(%dma_start3A_105 : memref<64xi32, #tpu.memory_space<vmem>>) semaphore(%run_scoped3A_102 : memref<!tpu.dma_semaphore, #tpu.memory_space<semaphore_mem>>) {add = true}
        %dma_wait3A_109 = arith.constant 0 : i32
        %dma_wait3A_110 = tpu.memref_slice %arg8[%add3A_84, %dma_wait3A_109] : memref<164x64xi32, #tpu.memory_space<vmem>> -> memref<1x64xi32, #tpu.memory_space<vmem>>
        %dma_wait3A_111 = tpu.memref_squeeze %dma_wait3A_110 : memref<1x64xi32, #tpu.memory_space<vmem>> -> memref<64xi32, #tpu.memory_space<vmem>>
        %dma_wait3A_112 = arith.constant 0 : i32
        %dma_wait3A_113 = arith.constant 0 : i32
        %dma_wait3A_114 = tpu.memref_slice %arg6[%dma_wait3A_112, %dma_wait3A_113] : memref<10112x128xf32, #tpu.memory_space<vmem_shared>> -> memref<10112x128xf32, #tpu.memory_space<vmem_shared>>
        tpu.wait_indirect_dma semaphore(%run_scoped3A_102 : memref<!tpu.dma_semaphore, #tpu.memory_space<semaphore_mem>>) src(%arg10 : memref<64x128xf32, #tpu.memory_space<vmem>>) dst(%dma_wait3A_114 : memref<10112x128xf32, #tpu.memory_space<vmem_shared>>)
        tpu.yield
      }) : () -> ()
      %add3A_91 = arith.constant 2 : i32
      %add3A_92 = arith.addi %add3A_84, %add3A_91 : i32
      %sub3A_93 = arith.constant 1 : i32
      %sub3A_94 = arith.subi %select_n3A, %sub3A_93 : i32
      %min3A_95 = arith.minsi %add3A_92, %sub3A_94 : i32
      %dma_start3A_96 = arith.constant 0 : i32
      %dma_start3A_97 = tpu.memref_slice %arg7[%min3A_95, %dma_start3A_96] : memref<164x64xi32, #tpu.memory_space<vmem>> -> memref<1x64xi32, #tpu.memory_space<vmem>>
      %dma_start3A_98 = tpu.memref_squeeze %dma_start3A_97 : memref<1x64xi32, #tpu.memory_space<vmem>> -> memref<64xi32, #tpu.memory_space<vmem>>
      %dma_start3A_99 = arith.constant 0 : i32
      %dma_start3A_100 = arith.constant 0 : i32
      %dma_start3A_101 = tpu.memref_slice %arg2[%dma_start3A_99, %dma_start3A_100] : memref<10000x128xf32, #tpu.memory_space<hbm>> -> memref<10000x128xf32, #tpu.memory_space<hbm>>
      tpu.enqueue_indirect_dma source(%dma_start3A_101 : memref<10000x128xf32, #tpu.memory_space<hbm>>) target(%arg10 : memref<64x128xf32, #tpu.memory_space<vmem>>) offsets(%dma_start3A_98 : memref<64xi32, #tpu.memory_space<vmem>>) semaphore(%arg12 : memref<!tpu.dma_semaphore, #tpu.memory_space<semaphore_mem>>)
    }
    %dma_wait3A = arith.constant 0 : i32
    %dma_wait3A_48 = arith.constant 0 : i32
    %dma_wait3A_49 = tpu.memref_slice %arg2[%dma_wait3A, %dma_wait3A_48] : memref<10000x128xf32, #tpu.memory_space<hbm>> -> memref<64x128xf32, #tpu.memory_space<hbm>>
    %dma_wait3A_50 = arith.constant 0 : i32
    %dma_wait3A_51 = arith.constant 0 : i32
    %dma_wait3A_52 = tpu.memref_slice %arg2[%dma_wait3A_50, %dma_wait3A_51] : memref<10000x128xf32, #tpu.memory_space<hbm>> -> memref<64x128xf32, #tpu.memory_space<hbm>>
    tpu.wait_dma2 semaphore(%arg11 : memref<!tpu.dma_semaphore, #tpu.memory_space<semaphore_mem>>) src(%dma_wait3A_52 : memref<64x128xf32, #tpu.memory_space<hbm>>) dst(%arg9 : memref<64x128xf32, #tpu.memory_space<vmem>>)
    %dma_wait3A_53 = arith.constant 0 : i32
    %dma_wait3A_54 = arith.constant 0 : i32
    %dma_wait3A_55 = tpu.memref_slice %arg2[%dma_wait3A_53, %dma_wait3A_54] : memref<10000x128xf32, #tpu.memory_space<hbm>> -> memref<64x128xf32, #tpu.memory_space<hbm>>
    %dma_wait3A_56 = arith.constant 0 : i32
    %dma_wait3A_57 = arith.constant 0 : i32
    %dma_wait3A_58 = tpu.memref_slice %arg2[%dma_wait3A_56, %dma_wait3A_57] : memref<10000x128xf32, #tpu.memory_space<hbm>> -> memref<64x128xf32, #tpu.memory_space<hbm>>
    tpu.wait_dma2 semaphore(%arg12 : memref<!tpu.dma_semaphore, #tpu.memory_space<semaphore_mem>>) src(%dma_wait3A_58 : memref<64x128xf32, #tpu.memory_space<hbm>>) dst(%arg10 : memref<64x128xf32, #tpu.memory_space<vmem>>)
    %barrier3A_59 = arith.constant 0 : index
    tpu.barrier barrier_id(%barrier3A_59)
    "tpu.region"() ({
      %run_scoped3A_60 = tpu.sem_alloc : memref<!tpu.dma_semaphore, #tpu.memory_space<semaphore_mem>>
      %dma_start3A_61 = arith.constant 0 : i32
      %dma_start3A_62 = tpu.memref_slice %arg5[%arg0, %mul3A_2, %dma_start3A_61] : memref<2x10112x128xf32, #tpu.memory_space<hbm>> -> memref<1x632x128xf32, #tpu.memory_space<hbm>>
      %dma_start3A_63 = tpu.memref_squeeze %dma_start3A_62 : memref<1x632x128xf32, #tpu.memory_space<hbm>> -> memref<632x128xf32, #tpu.memory_space<hbm>>
      %dma_start3A_64 = arith.constant 0 : i32
      %dma_start3A_65 = tpu.memref_slice %arg6[%mul3A_2, %dma_start3A_64] : memref<10112x128xf32, #tpu.memory_space<vmem_shared>> -> memref<632x128xf32, #tpu.memory_space<vmem_shared>>
      tpu.enqueue_dma source(%dma_start3A_65 : memref<632x128xf32, #tpu.memory_space<vmem_shared>>) target(%dma_start3A_63 : memref<632x128xf32, #tpu.memory_space<hbm>>) target_semaphore(%run_scoped3A_60 : memref<!tpu.dma_semaphore, #tpu.memory_space<semaphore_mem>>)
      %dma_wait3A_66 = arith.constant 0 : i32
      %dma_wait3A_67 = tpu.memref_slice %arg5[%arg0, %mul3A_2, %dma_wait3A_66] : memref<2x10112x128xf32, #tpu.memory_space<hbm>> -> memref<1x632x128xf32, #tpu.memory_space<hbm>>
      %dma_wait3A_68 = tpu.memref_squeeze %dma_wait3A_67 : memref<1x632x128xf32, #tpu.memory_space<hbm>> -> memref<632x128xf32, #tpu.memory_space<hbm>>
      %dma_wait3A_69 = arith.constant 0 : i32
      %dma_wait3A_70 = tpu.memref_slice %arg6[%mul3A_2, %dma_wait3A_69] : memref<10112x128xf32, #tpu.memory_space<vmem_shared>> -> memref<632x128xf32, #tpu.memory_space<vmem_shared>>
      tpu.wait_dma2 semaphore(%run_scoped3A_60 : memref<!tpu.dma_semaphore, #tpu.memory_space<semaphore_mem>>) src(%dma_wait3A_70 : memref<632x128xf32, #tpu.memory_space<vmem_shared>>) dst(%dma_wait3A_68 : memref<632x128xf32, #tpu.memory_space<hbm>>)
      tpu.yield
    }) : () -> ()
    return
  }
}

module attributes {stable_mosaic.version = 14 : i64} {
  func.func @_tc1_body(%arg0: i32, %arg1: memref<2x1000x144xf32, #tpu.memory_space<vmem>>, %arg2: memref<1000x128xf32, #tpu.memory_space<vmem>>, %arg3: memref<128x256xf32, #tpu.memory_space<vmem>>, %arg4: memref<128x256xf32, #tpu.memory_space<vmem>>, %arg5: memref<1x256xf32, #tpu.memory_space<vmem>>, %arg6: memref<256x128xf32, #tpu.memory_space<vmem>>, %arg7: memref<256x128xf32, #tpu.memory_space<vmem>>, %arg8: memref<1x128xf32, #tpu.memory_space<vmem>>, %arg9: memref<1000x128xf32, #tpu.memory_space<vmem>>, %arg10: memref<1000x128xf32, #tpu.memory_space<vmem>>, %arg11: memref<1000x8xf32, #tpu.memory_space<vmem>>) attributes {dimension_semantics = [#tpu.dimension_semantics<arbitrary>], iteration_bounds = array<i64: 10>, scalar_prefetch = 0 : i64, scratch_operands = 0 : i64, tpu.core_type = #tpu.core_type<tc>, window_params = [{transform_indices = @transform_0, window_bounds = array<i64: 2, 1000, 144>}, {transform_indices = @transform_1, window_bounds = array<i64: 1000, 128>}, {pipeline_mode = #tpu.pipeline_mode<synchronous>, transform_indices = @transform_2, window_bounds = array<i64: 128, 256>}, {pipeline_mode = #tpu.pipeline_mode<synchronous>, transform_indices = @transform_3, window_bounds = array<i64: 128, 256>}, {pipeline_mode = #tpu.pipeline_mode<synchronous>, transform_indices = @transform_4, window_bounds = array<i64: 1, 256>}, {pipeline_mode = #tpu.pipeline_mode<synchronous>, transform_indices = @transform_5, window_bounds = array<i64: 256, 128>}, {pipeline_mode = #tpu.pipeline_mode<synchronous>, transform_indices = @transform_6, window_bounds = array<i64: 256, 128>}, {pipeline_mode = #tpu.pipeline_mode<synchronous>, transform_indices = @transform_7, window_bounds = array<i64: 1, 128>}, {transform_indices = @transform_8, window_bounds = array<i64: 1000, 128>}, {transform_indices = @transform_9, window_bounds = array<i64: 1000, 128>}, {transform_indices = @transform_10, window_bounds = array<i64: 1000, 8>}]} {
    %get3A = arith.constant 0 : index
    %get3A_0 = arith.constant 0 : index
    %get3A_1 = arith.constant 0 : index
    %get3A_2 = vector.load %arg1[%get3A, %get3A_0, %get3A_1] : memref<2x1000x144xf32, #tpu.memory_space<vmem>>, vector<1x1000x144xf32>
    %get3A_3 = vector.shape_cast %get3A_2 : vector<1x1000x144xf32> to vector<1000x144xf32>
    %get3A_4 = arith.constant 1 : index
    %get3A_5 = arith.constant 0 : index
    %get3A_6 = arith.constant 0 : index
    %get3A_7 = vector.load %arg1[%get3A_4, %get3A_5, %get3A_6] : memref<2x1000x144xf32, #tpu.memory_space<vmem>>, vector<1x1000x144xf32>
    %get3A_8 = vector.shape_cast %get3A_7 : vector<1x1000x144xf32> to vector<1000x144xf32>
    %add3A = arith.addf %get3A_3, %get3A_8 : vector<1000x144xf32>
    %slice3A = vector.extract_strided_slice %add3A {offsets = [0, 128], sizes = [1000, 16], strides = [1, 1]} : vector<1000x144xf32> to vector<1000x16xf32>
    %reduce_sum3A = arith.constant dense<0.000000e+00> : vector<1000xf32>
    %reduce_sum3A_9 = vector.multi_reduction <add>, %slice3A, %reduce_sum3A [1] : vector<1000x16xf32> to vector<1000xf32>
    %broadcast_in_dim3A = vector.shape_cast %reduce_sum3A_9 : vector<1000xf32> to vector<1000x1xf32>
    %mul3A = arith.constant 6.250000e-02 : f32
    %mul3A_10 = vector.broadcast %mul3A : f32 to vector<1000x1xf32>
    %mul3A_11 = arith.mulf %broadcast_in_dim3A, %mul3A_10 : vector<1000x1xf32>
    %max3A = arith.constant 1.000000e+00 : f32
    %max3A_12 = vector.broadcast %max3A : f32 to vector<1000x1xf32>
    %max3A_13 = arith.maximumf %mul3A_11, %max3A_12 : vector<1000x1xf32>
    %div3A = arith.constant 1.000000e+00 : f32
    %div3A_14 = vector.broadcast %div3A : f32 to vector<1000x1xf32>
    %div3A_15 = arith.divf %div3A_14, %max3A_13 : vector<1000x1xf32>
    %slice3A_16 = vector.extract_strided_slice %add3A {offsets = [0, 0], sizes = [1000, 128], strides = [1, 1]} : vector<1000x144xf32> to vector<1000x128xf32>
    %mul3A_17 = vector.broadcast %div3A_15 : vector<1000x1xf32> to vector<1000x128xf32>
    %mul3A_18 = arith.mulf %slice3A_16, %mul3A_17 : vector<1000x128xf32>
    %get3A_19 = arith.constant 0 : index
    %get3A_20 = arith.constant 0 : index
    %get3A_21 = vector.load %arg2[%get3A_19, %get3A_20] : memref<1000x128xf32, #tpu.memory_space<vmem>>, vector<1000x128xf32>
    %get3A_22 = arith.constant 0 : index
    %get3A_23 = arith.constant 0 : index
    %get3A_24 = vector.load %arg3[%get3A_22, %get3A_23] : memref<128x256xf32, #tpu.memory_space<vmem>>, vector<128x256xf32>
    %dot_general3A = arith.constant dense<0.000000e+00> : vector<1000x256xf32>
    %dot_general3A_25 = tpu.matmul %get3A_21, %get3A_24, %dot_general3A {dimension_numbers = #tpu.dot_dimension_numbers<[1], [0], [0], [1], [0, 0, 1, 1], [], []>, transpose_lhs_hint = false} : vector<1000x128xf32>, vector<128x256xf32>, vector<1000x256xf32> -> vector<1000x256xf32>
    %get3A_26 = arith.constant 0 : index
    %get3A_27 = arith.constant 0 : index
    %get3A_28 = vector.load %arg4[%get3A_26, %get3A_27] : memref<128x256xf32, #tpu.memory_space<vmem>>, vector<128x256xf32>
    %dot_general3A_29 = arith.constant dense<0.000000e+00> : vector<1000x256xf32>
    %dot_general3A_30 = tpu.matmul %mul3A_18, %get3A_28, %dot_general3A_29 {dimension_numbers = #tpu.dot_dimension_numbers<[1], [0], [0], [1], [0, 0, 1, 1], [], []>, transpose_lhs_hint = false} : vector<1000x128xf32>, vector<128x256xf32>, vector<1000x256xf32> -> vector<1000x256xf32>
    %add3A_31 = arith.addf %dot_general3A_25, %dot_general3A_30 : vector<1000x256xf32>
    %get3A_32 = arith.constant 0 : index
    %get3A_33 = arith.constant 0 : index
    %get3A_34 = vector.load %arg5[%get3A_32, %get3A_33] : memref<1x256xf32, #tpu.memory_space<vmem>>, vector<1x256xf32>
    %add3A_35 = vector.broadcast %get3A_34 : vector<1x256xf32> to vector<1000x256xf32>
    %add3A_36 = arith.addf %add3A_31, %add3A_35 : vector<1000x256xf32>
    %max3A_37 = arith.constant 0.000000e+00 : f32
    %max3A_38 = vector.broadcast %max3A_37 : f32 to vector<1000x256xf32>
    %max3A_39 = arith.maximumf %add3A_36, %max3A_38 : vector<1000x256xf32>
    %get3A_40 = arith.constant 0 : index
    %get3A_41 = arith.constant 0 : index
    %get3A_42 = vector.load %arg7[%get3A_40, %get3A_41] : memref<256x128xf32, #tpu.memory_space<vmem>>, vector<256x128xf32>
    %dot_general3A_43 = arith.constant dense<0.000000e+00> : vector<1000x128xf32>
    %dot_general3A_44 = tpu.matmul %max3A_39, %get3A_42, %dot_general3A_43 {dimension_numbers = #tpu.dot_dimension_numbers<[1], [0], [0], [1], [0, 0, 1, 1], [], []>, transpose_lhs_hint = false} : vector<1000x256xf32>, vector<256x128xf32>, vector<1000x128xf32> -> vector<1000x128xf32>
    %swap3A = arith.constant 0 : index
    %swap3A_45 = arith.constant 0 : index
    %swap3A_46 = vector.load %arg9[%swap3A, %swap3A_45] : memref<1000x128xf32, #tpu.memory_space<vmem>>, vector<1000x128xf32>
    tpu.vector_store %arg9[%swap3A, %swap3A_45], %dot_general3A_44 {strides = array<i32>} : memref<1000x128xf32, #tpu.memory_space<vmem>>, vector<1000x128xf32>,
    %get3A_47 = arith.constant 0 : index
    %get3A_48 = arith.constant 0 : index
    %get3A_49 = vector.load %arg6[%get3A_47, %get3A_48] : memref<256x128xf32, #tpu.memory_space<vmem>>, vector<256x128xf32>
    %dot_general3A_50 = arith.constant dense<0.000000e+00> : vector<1000x128xf32>
    %dot_general3A_51 = tpu.matmul %max3A_39, %get3A_49, %dot_general3A_50 {dimension_numbers = #tpu.dot_dimension_numbers<[1], [0], [0], [1], [0, 0, 1, 1], [], []>, transpose_lhs_hint = false} : vector<1000x256xf32>, vector<256x128xf32>, vector<1000x128xf32> -> vector<1000x128xf32>
    %get3A_52 = arith.constant 0 : index
    %get3A_53 = arith.constant 0 : index
    %get3A_54 = vector.load %arg8[%get3A_52, %get3A_53] : memref<1x128xf32, #tpu.memory_space<vmem>>, vector<1x128xf32>
    %add3A_55 = vector.broadcast %get3A_54 : vector<1x128xf32> to vector<1000x128xf32>
    %add3A_56 = arith.addf %dot_general3A_51, %add3A_55 : vector<1000x128xf32>
    %swap3A_57 = arith.constant 0 : index
    %swap3A_58 = arith.constant 0 : index
    %swap3A_59 = vector.load %arg10[%swap3A_57, %swap3A_58] : memref<1000x128xf32, #tpu.memory_space<vmem>>, vector<1000x128xf32>
    tpu.vector_store %arg10[%swap3A_57, %swap3A_58], %add3A_56 {strides = array<i32>} : memref<1000x128xf32, #tpu.memory_space<vmem>>, vector<1000x128xf32>,
    %broadcast_in_dim3A_60 = vector.shape_cast %div3A_15 : vector<1000x1xf32> to vector<1000x1xf32>
    %broadcast_in_dim3A_61 = vector.broadcast %broadcast_in_dim3A_60 : vector<1000x1xf32> to vector<1000x8xf32>
    %swap3A_62 = arith.constant 0 : index
    %swap3A_63 = arith.constant 0 : index
    %swap3A_64 = vector.load %arg11[%swap3A_62, %swap3A_63] : memref<1000x8xf32, #tpu.memory_space<vmem>>, vector<1000x8xf32>
    tpu.vector_store %arg11[%swap3A_62, %swap3A_63], %broadcast_in_dim3A_61 {strides = array<i32>} : memref<1000x8xf32, #tpu.memory_space<vmem>>, vector<1000x8xf32>,
    return
  }
  func.func @transform_0(%arg0: i32) -> (i32, i32, i32) {
    %c0_i32 = arith.constant 0 : i32
    %c0_i32_0 = arith.constant 0 : i32
    %c0_i32_1 = arith.constant 0 : i32
    return %c0_i32, %arg0, %c0_i32_0 : i32, i32, i32
  }
  func.func @transform_1(%arg0: i32) -> (i32, i32) {
    %c0_i32 = arith.constant 0 : i32
    %c0_i32_0 = arith.constant 0 : i32
    return %arg0, %c0_i32 : i32, i32
  }
  func.func @transform_2(%arg0: i32) -> (i32, i32) {
    %c0_i32 = arith.constant 0 : i32
    %c0_i32_0 = arith.constant 0 : i32
    %c0_i32_1 = arith.constant 0 : i32
    return %c0_i32, %c0_i32_0 : i32, i32
  }
  func.func @transform_3(%arg0: i32) -> (i32, i32) {
    %c0_i32 = arith.constant 0 : i32
    %c0_i32_0 = arith.constant 0 : i32
    %c0_i32_1 = arith.constant 0 : i32
    return %c0_i32, %c0_i32_0 : i32, i32
  }
  func.func @transform_4(%arg0: i32) -> (i32, i32) {
    %c0_i32 = arith.constant 0 : i32
    %c0_i32_0 = arith.constant 0 : i32
    %c0_i32_1 = arith.constant 0 : i32
    return %c0_i32, %c0_i32_0 : i32, i32
  }
  func.func @transform_5(%arg0: i32) -> (i32, i32) {
    %c0_i32 = arith.constant 0 : i32
    %c0_i32_0 = arith.constant 0 : i32
    %c0_i32_1 = arith.constant 0 : i32
    return %c0_i32, %c0_i32_0 : i32, i32
  }
  func.func @transform_6(%arg0: i32) -> (i32, i32) {
    %c0_i32 = arith.constant 0 : i32
    %c0_i32_0 = arith.constant 0 : i32
    %c0_i32_1 = arith.constant 0 : i32
    return %c0_i32, %c0_i32_0 : i32, i32
  }
  func.func @transform_7(%arg0: i32) -> (i32, i32) {
    %c0_i32 = arith.constant 0 : i32
    %c0_i32_0 = arith.constant 0 : i32
    %c0_i32_1 = arith.constant 0 : i32
    return %c0_i32, %c0_i32_0 : i32, i32
  }
  func.func @transform_8(%arg0: i32) -> (i32, i32) {
    %c0_i32 = arith.constant 0 : i32
    %c0_i32_0 = arith.constant 0 : i32
    return %arg0, %c0_i32 : i32, i32
  }
  func.func @transform_9(%arg0: i32) -> (i32, i32) {
    %c0_i32 = arith.constant 0 : i32
    %c0_i32_0 = arith.constant 0 : i32
    return %arg0, %c0_i32 : i32, i32
  }
  func.func @transform_10(%arg0: i32) -> (i32, i32) {
    %c0_i32 = arith.constant 0 : i32
    %c0_i32_0 = arith.constant 0 : i32
    return %arg0, %c0_i32 : i32, i32
  }
}

module attributes {stable_mosaic.version = 14 : i64} {
  func.func @_tc2_body(%arg0: i32, %arg1: memref<2x1000x128xf32, #tpu.memory_space<vmem>>, %arg2: memref<1000x128xf32, #tpu.memory_space<vmem>>, %arg3: memref<1000x8xf32, #tpu.memory_space<vmem>>, %arg4: memref<1000x128xf32, #tpu.memory_space<vmem>>) attributes {dimension_semantics = [#tpu.dimension_semantics<arbitrary>], iteration_bounds = array<i64: 10>, scalar_prefetch = 0 : i64, scratch_operands = 0 : i64, tpu.core_type = #tpu.core_type<tc>, window_params = [{transform_indices = @transform_0, window_bounds = array<i64: 2, 1000, 128>}, {transform_indices = @transform_1, window_bounds = array<i64: 1000, 128>}, {transform_indices = @transform_2, window_bounds = array<i64: 1000, 8>}, {transform_indices = @transform_3, window_bounds = array<i64: 1000, 128>}]} {
    %get3A = arith.constant 0 : index
    %get3A_0 = arith.constant 0 : index
    %get3A_1 = vector.load %arg3[%get3A, %get3A_0] : memref<1000x8xf32, #tpu.memory_space<vmem>>, vector<1000x8xf32>
    %slice3A = vector.extract_strided_slice %get3A_1 {offsets = [0, 0], sizes = [1000, 1], strides = [1, 1]} : vector<1000x8xf32> to vector<1000x1xf32>
    %broadcast_in_dim3A = vector.shape_cast %slice3A : vector<1000x1xf32> to vector<1000x1xf32>
    %broadcast_in_dim3A_2 = vector.broadcast %broadcast_in_dim3A : vector<1000x1xf32> to vector<1000x128xf32>
    %get3A_3 = arith.constant 0 : index
    %get3A_4 = arith.constant 0 : index
    %get3A_5 = vector.load %arg2[%get3A_3, %get3A_4] : memref<1000x128xf32, #tpu.memory_space<vmem>>, vector<1000x128xf32>
    %get3A_6 = arith.constant 0 : index
    %get3A_7 = arith.constant 0 : index
    %get3A_8 = arith.constant 0 : index
    %get3A_9 = vector.load %arg1[%get3A_6, %get3A_7, %get3A_8] : memref<2x1000x128xf32, #tpu.memory_space<vmem>>, vector<1x1000x128xf32>
    %get3A_10 = vector.shape_cast %get3A_9 : vector<1x1000x128xf32> to vector<1000x128xf32>
    %get3A_11 = arith.constant 1 : index
    %get3A_12 = arith.constant 0 : index
    %get3A_13 = arith.constant 0 : index
    %get3A_14 = vector.load %arg1[%get3A_11, %get3A_12, %get3A_13] : memref<2x1000x128xf32, #tpu.memory_space<vmem>>, vector<1x1000x128xf32>
    %get3A_15 = vector.shape_cast %get3A_14 : vector<1x1000x128xf32> to vector<1000x128xf32>
    %add3A = arith.addf %get3A_10, %get3A_15 : vector<1000x128xf32>
    %mul3A = arith.mulf %add3A, %broadcast_in_dim3A_2 : vector<1000x128xf32>
    %add3A_16 = arith.addf %get3A_5, %mul3A : vector<1000x128xf32>
    %swap3A = arith.constant 0 : index
    %swap3A_17 = arith.constant 0 : index
    %swap3A_18 = vector.load %arg4[%swap3A, %swap3A_17] : memref<1000x128xf32, #tpu.memory_space<vmem>>, vector<1000x128xf32>
    tpu.vector_store %arg4[%swap3A, %swap3A_17], %add3A_16 {strides = array<i32>} : memref<1000x128xf32, #tpu.memory_space<vmem>>, vector<1000x128xf32>,
    return
  }
  func.func @transform_0(%arg0: i32) -> (i32, i32, i32) {
    %c0_i32 = arith.constant 0 : i32
    %c0_i32_0 = arith.constant 0 : i32
    %c0_i32_1 = arith.constant 0 : i32
    return %c0_i32, %arg0, %c0_i32_0 : i32, i32, i32
  }
  func.func @transform_1(%arg0: i32) -> (i32, i32) {
    %c0_i32 = arith.constant 0 : i32
    %c0_i32_0 = arith.constant 0 : i32
    return %arg0, %c0_i32 : i32, i32
  }
  func.func @transform_2(%arg0: i32) -> (i32, i32) {
    %c0_i32 = arith.constant 0 : i32
    %c0_i32_0 = arith.constant 0 : i32
    return %arg0, %c0_i32 : i32, i32
  }
  func.func @transform_3(%arg0: i32) -> (i32, i32) {
    %c0_i32 = arith.constant 0 : i32
    %c0_i32_0 = arith.constant 0 : i32
    return %arg0, %c0_i32 : i32, i32
  }
}

</mosaic_0001>

<sc_bundles>
// kernel: kernel.6.cloned.1.call-start
scs
__scs_entry_jumppad:
0x0: {  	(pc) =	sbr.rel $0x88, $3  }
0x1: {  	(tag) =	ssettag $0x0;
	lr =	simm.s32 $0x1  }
0x2: {  	[smem:$0x3F99] =	sst lr;
	_ =	strace $0xD0000000  }
0x3: {  	_ = 	snop  }
0x4: {  	_ = 	snop  }
0x5: {  	_ = 	snop  }
0x6: {  	_ = 	snop  }
0x7: {  	_ = 	snop  }
__scs_overlays_trampoline_lowered:
0x8: {  	[smem:$0x3FA8] =	sst s0  }
0x9: {  	[smem:$0x3FA9] =	sst s1  }
0xa: {  	[smem:$0x3FAA] =	sst s2  }
0xb: {  	[smem:$0x3FAB] =	sst s3  }
0xc: {  	[smem:$0x3FAC] =	sst s4  }
0xd: {  	[smem:$0x3FAD] =	sst s5  }
0xe: {  	[smem:$0x3FAE] =	sst s6  }
0xf: {  	[smem:$0x3FAF] =	sst s7  }
0x10: {  	[smem:$0x3FB0] =	sst s8  }
0x11: {  	[smem:$0x3FB1] =	sst s9;
	s0 =	simm.s32 @!p0 $0x0  }
0x12: {  	s1 =	sld [smem:$0x3F97];
	s0 =	simm.s32 @p0 $0x1  }
0x13: {  	[smem:$0x3FB2] =	sst s0;
	s0 =	simm.s32 @!p1 $0x0  }
0x14: {  	s2 =	sld [smem:$0x3F96];
	s0 =	simm.s32 @p1 $0x1  }
0x15: {  	[smem:$0x3FB3] =	sst s0;
	s0 =	simm.s32 @!p2 $0x0  }
0x16: {  	s3 =	sld [smem:$0x3FDB];
	s0 =	simm.s32 @p2 $0x1  }
0x17: {  	s4 =	simm.s32 $0x1BF5;
	[smem:$0x3FB5] =	sst s0  }
0x18: {  	s0 =	sld [smem:$0x3F98];
	_ =	swait.ge [sflag:s4], $0x0  }
0x19: {  	s7 =	sld [smem:$0x3F99]  }
0x1a: {  	s8 =	sadd.s32 $0xFFFFE003, lr  }
0x1b: {  	s9 =	sadd.s32 $0xFFFFFEF7, lr;
	s5 =	simm.s32 $0xFFFFFFFF;
	p2 =	slt.u32 s8, $0xFFFFF086  }
0x1c: {  	p1 =	slt.u32 s9, $0xF7A;
	s5 =	simm.s32 @!p2 $0x0  }
0x1d: {  	s5 =	simm.s32 @p1 $0x1;
	p0 =	seq.s32 s7, s2  }
0x1e: {  	s7 =	smul.u32 @!p0 $0xF7A, s2;
	p2 =	seq.s32 @!p0 s5, $0x0  }
0x1f: {  	s9 =	smul.u32 $0xF7A, s1;
	s8 =	simm.s32 @!p0 $0x1BF5;
	p2 =	por !p2, p0  }
0x20: {  	[sflag:s8] =	ssyncset.s32 @!p0 $0xFFFFF086;
	s6 =	sadd.s32 @!p0 s3, s7;
	s7 =	simm.s32 @!p0 $0x108  }
0x21: {  	s3 =	sadd.s32 s3, s9;
	s6 =	sadd.s32 @!p0 $0x88, s6;
	s7 =	simm.s32 @p2 $0x1082  }
0x22: {  	[simem:s7], [sflag:s8] =	dma.local @!p0 [hbm:s6], $0xF7A  }
0x23: {  	s9 =	sor.u32 $0xD0000000, s2;
	s6 =	simm.s32 $0x108;
	_ =	swait.ge @!p0 [sflag:s8], $0x0  }
0x24: {  	s3 =	sadd.s32 $0x88, s3;
	s6 =	simm.s32 @!p1 $0x1082;
	[sflag:s4] =	ssyncset.s32 $0xFFFFF086  }
0x25: {  	[simem:s6], [sflag:s4] =	dma.local [hbm:s3], $0xF7A  }
0x26: {  	[smem:$0x3F99] =	sst s1;
	(tag) =	ssettag s2;
	_ =	strace s9  }
0x27: {  	s1 =	sld [smem:$0x3FA9]  }
0x28: {  	s2 =	sld [smem:$0x3FAA]  }
0x29: {  	s4 =	sld [smem:$0x3FAC]  }
0x2a: {  	p0 =	seq.s32 s5, $0x0;
	s5 =	sld [smem:$0x3FAD]  }
0x2b: {  	s6 =	sld [smem:$0x3FAE]  }
0x2c: {  	s7 =	sld [smem:$0x3FAF]  }
0x2d: {  	s3 =	simm.s32 $0x108;
	s8 =	sld [smem:$0x3FB0]  }
0x2e: {  	s3 =	simm.s32 @!p0 $0x1082;
	s9 =	sld [smem:$0x3FB1]  }
0x2f: {  	lr =	sadd.s32 s0, s3;
	s0 =	sld [smem:$0x3FA8]  }
0x30: {  	s3 =	sld [smem:$0x3FAB]  }
0x31: {  	[smem:$0x3FB4] =	sst s10  }
0x32: {  	s10 =	sld [smem:$0x3FB2];
	_ =	sdelay $0x3  }
0x33: {  	p0 =	seq.s32 s10, $0x1;
	s10 =	sld [smem:$0x3FB4];
	_ =	sdelay $0x3  }
0x34: {  	[smem:$0x3FB4] =	sst s10  }
0x35: {  	s10 =	sld [smem:$0x3FB3];
	_ =	sdelay $0x3  }
0x36: {  	p1 =	seq.s32 s10, $0x1;
	s10 =	sld [smem:$0x3FB4];
	_ =	sdelay $0x3  }
0x37: {  	[smem:$0x3FB4] =	sst s10  }
0x38: {  	s10 =	sld [smem:$0x3FB5]  }
0x39: {  	_ = 	snop;
	(pc) =	sbr.ind lr, $3  }
0x3a: {  	_ = 	snop  }
0x3b: {  	_ = 	snop  }
0x3c: {  	p2 =	seq.s32 s10, $0x1;
	s10 =	sld [smem:$0x3FB4]  }
0x3d: {  	_ =	shalt  }
0x3e: {  	_ =	shalt  }
0x3f: {  	_ =	shalt  }
0x40: {  	_ =	shalt  }
0x41: {  	_ =	shalt  }
0x42: {  	_ =	shalt  }
0x43: {  	_ =	shalt  }
0x44: {  	_ =	shalt  }
0x45: {  	_ =	shalt  }
0x46: {  	_ =	shalt  }
0x47: {  	_ =	shalt  }
0x48: {  	_ =	shalt  }
0x49: {  	_ =	shalt  }
0x4a: {  	_ =	shalt  }
0x4b: {  	_ =	shalt  }
0x4c: {  	_ =	shalt  }
0x4d: {  	_ =	shalt  }
0x4e: {  	_ =	shalt  }
0x4f: {  	_ =	shalt  }
0x50: {  	_ =	shalt  }
0x51: {  	_ =	shalt  }
0x52: {  	_ =	shalt  }
0x53: {  	_ =	shalt  }
0x54: {  	_ =	shalt  }
0x55: {  	_ =	shalt  }
0x56: {  	_ =	shalt  }
0x57: {  	_ =	shalt  }
0x58: {  	_ =	shalt  }
0x59: {  	_ =	shalt  }
0x5a: {  	_ =	shalt  }
0x5b: {  	_ =	shalt  }
0x5c: {  	_ =	shalt  }
0x5d: {  	_ =	shalt  }
0x5e: {  	_ =	shalt  }
0x5f: {  	_ =	shalt  }
0x60: {  	_ =	shalt  }
0x61: {  	_ =	shalt  }
0x62: {  	_ =	shalt  }
0x63: {  	_ =	shalt  }
0x64: {  	_ =	shalt  }
0x65: {  	_ =	shalt  }
0x66: {  	_ =	shalt  }
0x67: {  	_ =	shalt  }
0x68: {  	_ =	shalt  }
0x69: {  	_ =	shalt  }
0x6a: {  	_ =	shalt  }
0x6b: {  	_ =	shalt  }
0x6c: {  	_ =	shalt  }
0x6d: {  	_ =	shalt  }
0x6e: {  	_ =	shalt  }
0x6f: {  	_ =	shalt  }
0x70: {  	_ =	shalt  }
0x71: {  	_ =	shalt  }
0x72: {  	_ =	shalt  }
0x73: {  	_ =	shalt  }
0x74: {  	_ =	shalt  }
0x75: {  	_ =	shalt  }
0x76: {  	_ =	shalt  }
0x77: {  	_ =	shalt  }
0x78: {  	_ =	shalt  }
0x79: {  	_ =	shalt  }
0x7a: {  	_ =	shalt  }
0x7b: {  	_ =	shalt  }
0x7c: {  	_ =	shalt  }
0x7d: {  	_ =	shalt  }
0x7e: {  	_ =	shalt  }
0x7f: {  	_ =	shalt  }
0x80: {  	_ =	shalt  }
0x81: {  	_ =	shalt  }
0x82: {  	_ =	shalt  }
0x83: {  	_ =	shalt  }
0x84: {  	_ =	shalt  }
0x85: {  	_ =	shalt  }
0x86: {  	_ =	shalt  }
0x87: {  	_ =	shalt  }
.Lfunc_end0:
.L_simem_size_0:
called_computation_lowered:
.L_overlay_start_0:
0x88: {  	s2 =	sld [smem:$0x3FD9]  }
0x89: {  	s3 =	sld [smem:$0x3FFE];
	_ =	sdelay $0x1  }
0x8a: {  	s1 =	srdreg.scid  }
0x8b: {  	s0 =	sand.u32 $0x1, s1  }
0x8c: {  	s16 =	sshll.u32 s0, $0xA;
	s2 =	sadd.s32 s3, s2  }
0x8d: {  	s2 =	sadd.s32 s2, s16  }
0x8e: {  	[smem:$0x3FC0] =	sst s2  }
0x8f: {  	_ = 	snop  }
0x90: {  	(tm) =	ssettm $0x1  }
0x91: {  	s17 =	sld [smem:$0x3FFB];
	_ =	sdelay $0x3  }
0x92: {  	_ =	strace s17  }
0x93: {  	s2 =	sld [smem:$0x3FFC];
	_ =	sdelay $0x3  }
0x94: {  	_ =	strace s2  }
0x95: {  	s2 =	sld [smem:$0x3FFD];
	_ =	sdelay $0x3  }
0x96: {  	_ =	strace s2  }
0x97: {  	_ =	strace $0x8FFFFFFF  }
0x98: {  	s18 =	sld [smem:$0x3FDB];
	_ =	sdelay $0x1  }
0x99: {  	s19 =	simm.s32 $_scs_section_size  }
0x9a: {  	s4 =	simm.s32 $_size__tile_overlayer_lowered;
	s5 =	simm.s32 $_tile_overlayer_lowered  }
0x9b: {  	s22 =	simm.s32 $0x1BFF;
	s21 =	sshll.u32 s5, $0x1;
	s2 =	sadd.s32 s19, s18  }
0x9c: {  	s6 =	simm.s32 $0x0;
	s20 =	sshll.u32 s4, $0x1;
	s4 =	sadd.s32 s21, s2  }
0x9d: {  	[timem:s6], [sflag:s22] =	dma.local [hbm:s4], s20  }
0x9e: {  	_ =	swait.ge [sflag:s22], s20  }
0x9f: {  	s3 =	ssub.s32 $0x0, s20;
	[sflag:s22] =	ssyncset.done $0x0  }
0xa0: {  	[sflag:s22] =	ssyncadd.s32 s3;
	_ =	sdelay $0x1  }
0xa1: {  	s23 =	simm.s32 $0x1B8B  }
0xa2: {  	_ =	swait.ge [sflag:s23], $0x1  }
0xa3: {  	[sflag:s23] =	ssyncset.done $0x0  }
0xa4: {  	s25 =	simm.s32 $0x1B8E;
	s24 =	sld [smem:$0x3FFE];
	[sflag:s23] =	ssyncadd.s32 $0xFFFFFFFF  }
0xa5: {  	s26 =	simm.s32 $execute0_lowered;
	[smem:$0x3FD2] =	sst s25  }
0xa6: {  	s4 =	sshll.u32 s26, $0x1;
	_ =	strace $0x80000046;
	[dreg:$0x1] =	wrdreg $0xFFFFFFFF  }
0xa7: {  	s28 =	simm.s32 $_size_execute0_lowered;
	s2 =	sadd.s32 s2, s4;
	[dreg:$0x0] =	wrdreg $0x0  }
0xa8: {  	s4 =	sshll.u32 s28, $0x1;
	[dreg:$0x2] =	wrdreg s2  }
0xa9: {  	[dreg:$0x3] =	wrdreg s4  }
0xaa: {  	[dreg:$0x4] =	wrdreg $0xC0  }
0xab: {  	_ =	task [dreg:s6], $0x5FFFF  }
0xac: {  	[dreg:$0x1] =	wrdreg $0xFFFFFFFF  }
0xad: {  	[dreg:$0x0] =	wrdreg $0x60  }
0xae: {  	[dreg:$0x2] =	wrdreg s24  }
0xaf: {  	[dreg:$0x3] =	wrdreg $0x0  }
0xb0: {  	[dreg:$0x4] =	wrdreg $0x9  }
0xb1: {  	_ =	task.clear_ibuf [dreg:s6], $0x5FFFF;
	_ =	strace $0x90000046  }
0xb2: {  	s29 =	simm.s32 $0x9;
	_ =	strace $0x80000048  }
0xb3: {  	_ =	swait.ge [sflag:s29], $0x1  }
0xb4: {  	[sflag:s29] =	ssyncadd.s32 $0xFFFFFFFF  }
0xb5: {  	_ =	strace $0x90000048  }
0xb6: {  	_ =	sfence  }
0xb7: {  	s30 =	sld [smem:$0x0];
	_ =	sdelay $0x2  }
0xb8: {  	s31 =	sshll.u32 s1, $0xD;
	s1 =	sshrl.u32 s1, $0x2  }
0xb9: {  	s3 =	sand.u32 $0x4000, s31;
	s1 =	sadd.s32 s1, s30  }
0xba: {  	s0 =	sor.u32 s3, s0;
	s1 =	sshll.u32 s1, $0x11  }
0xbb: {  	s0 =	sor.u32 s1, s0  }
0xbc: {  	s0 =	sadd.s32 $0x8F2B, s0  }
0xbd: {  	[sflag:s0] =	ssyncadd.remote.s32 $0x1  }
0xbe: {  	_ =	sfence.sel $0xFFFF  }
0xbf: {  	[dreg:$0x0] =	wrdreg $0xFFFFFFFF;
	(pc) =	sbr.abs _section_cstart, $3  }
0xc0: {  	[dreg:$0x1] =	wrdreg $0xFFFFFFFF  }
0xc1: {  	_ =	task.clear_ibuf [dreg:s6], $0x2FFFF;
	_ =	strace $0x9FFFFFFF  }
0xc2: {  	(tm) =	ssettm $0x7FFFFFFF  }
0xc3: {  	_ =	shalt  }
tec
execute0_lowered:
.L_overlay_start_1:
0x0: {  	(tag) =	ssettag $0x1  }
0x1: {  	s0 =	srdreg.scid;
	s6 =	rddreg [dreg:$0x0]  }
0x2: {  	s2 =	rddreg [dreg:$0x1];
	s3 =	simm.s32 $0x0;
	s13 =	simm.s32 $0xA4  }
0x3: {  	s14 =	simm.s32 $0x18C80;
	s15 =	simm.s32 $0x40;
	s16 =	simm.s32 $0x1B580  }
0x4: {  	s17 =	simm.s32 $0x163C0;
	s18 =	simm.s32 $0x1D980;
	s21 =	simm.s32 $0x1  }
0x5: {  	s22 =	simm.s32 $0x2;
	s5 =	sand.u32 $0x1, s0;
	s0 =	stileid.u32  }
0x6: {  	s23 =	simm.s32 $0x0;
	[smem:$0x7FF] =	sst s3;
	s8 =	smul.u32 $0x16380, s0  }
0x7: {  	s1 =	sshll.u32 s5, $0x4;
	s10 =	smul.u32 $0x163800, s5;
	s5 =	ssub.s32 $0x2, s5  }
0x8: {  	s19 =	sshll.u32 s0, $0x6;
	s7 =	sor.u32 s0, s1;
	s1 =	rddreg [dreg:$0x2]  }
0x9: {  	_ =	strace $0x80000047;
	s12 =	sshrl.u32 s5, $0x1;
	s19 =	sor.u32 $0x1C03, s19  }
0xa: {  	s4 =	smul.u32 $0x2700, s7;
	s11 =	sshrl.u32 s8, $0x3;
	s10 =	sadd.s32 s8, s10  }
0xb: {  	s12 =	ssub.s32 s5, s12;
	p0 =	seq.s32 s7, $0x1F;
	s20 =	sadd.s32 s8, s2  }
0xc: {  	s11 =	sadd.s32 s11, s6;
	s10 =	sshrl.u32 s10, $0x3;
	s13 =	simm.s32 @!p0 $0x9C  }
0xd: {  	s20 =	sshrl.u32 s20, $0x3;
	s9 =	sshrl.u32 s4, $0x3;
	s4 =	sadd.s32 $0x15600, s6  }
0xe: {  	s10 =	sadd.s32 s10, s6;
	s7 =	sadd.s32 $0x41600, s11;
	s8 =	sadd.s32 $0xFFFFFFFF, s13  }
0xf: {  	s31 =	sshll.u32 s13, $0x8;
	s13 =	simm.s32 $0x3;
	s9 =	sadd.s32 s9, s6  }
0x10: {  	s11 =	sadd.s32 $0xFFFFFC00, s31;
	s5 =	sadd.s32 $0x1C00, s9;
	s6 =	sadd.s32 $0xB840, s9  }
0x11: {  	s9 =	sadd.s32 $0x6DE00, s10;
	s10 =	smax.u32 s12, $0x1;
	s12 =	simm.s32 $0x16380  }
.LBB2_1:
0x12: {  	[tilespmem:s12], [sflag:$0x3] =	stream.linear.gather [hbm4b:s5+s3], $0x2900, $0x38;
	[tilespmem:$0x1FD80] =	vst v63  }
0x13: {  	_ =	swait.ge [sflag:s13], $0x2900  }
0x14: {  	[sflag:s13] =	ssyncset.done $0x0  }
0x15: {  	[sflag:s13] =	ssyncadd.s32 $0xFFFFD700  }
0x16: {  	[tilespmem:s14], [sflag:$0x3] =	stream.linear.gather [hbm4b:s6+s3], $0x2900, $0x38;
	[tilespmem:$0x1FD80] =	vst v63  }
0x17: {  	_ =	swait.ge [sflag:s13], $0x2900  }
0x18: {  	[sflag:s13] =	ssyncset.done $0x0  }
0x19: {  	[sflag:s13] =	ssyncadd.s32 $0xFFFFD700  }
0x1a: {  	[tilespmem:s16], [sflag:$0x1] =	stream.indirect.gather [hbm4b:s4+s15], $0x90, s12, s15, $0xb8;
	[tilespmem:$0x1FD80] =	vst v63  }
0x1b: {  	_ = 	snop  }
0x1c: {  	[tilespmem:s18], [sflag:$0x2] =	stream.indirect.gather [hbm4b:s4+s15], $0x90, s17, s15, $0xb8;
	[tilespmem:$0x1FD80] =	vst v63  }
0x1d: {  	[spmem:s20], [sflag:s19] =	dma.local [hbm:s7], $0x2C70  }
0x1e: {  	_ =	swait.ge [sflag:s13], $0x2C70  }
0x1f: {  	[sflag:s13] =	ssyncset.done $0x0  }
0x20: {  	[sflag:s13] =	ssyncadd.s32 $0xFFFFD390  }
0x21: {  	[bflag:$0x0] =	sbarrier.arrive $0xFFFF  }
0x22: {  	_ =	swait.ge [sflag:s21], $0x2400  }
0x23: {  	[sflag:s21] =	ssyncset.done $0x0  }
0x24: {  	s25 =	simm.s32 $0x18C80;
	[sflag:s21] =	ssyncadd.s32 $0xFFFFDC00  }
0x25: {  	[spmem:s2] =	stream.indirect.scatter.add.f32 [tilespmem:s16], [sflag:$0x3], $0x90, s25, s15, $0xb8;
	[tilespmem:$0x1FD80] =	vst v63  }
0x26: {  	s24 =	simm.s32 $0x2;
	p0 =	sgt.s32 s8, $0x2;
	s25 =	smov.u32 s8  }
0x27: {  	s25 =	smov.u32 @p0 s24  }
0x28: {  	_ =	swait.ge [sflag:s13], $0x2400;
	s24 =	sshll.u32 s25, $0x8  }
0x29: {  	[sflag:s13] =	ssyncset.done $0x0;
	s24 =	sshra.s32 s24, $0x2  }
0x2a: {  	[sflag:s13] =	ssyncadd.s32 $0xFFFFDC00;
	s24 =	sadd.s32 $0x16380, s24  }
0x2b: {  	[tilespmem:s16], [sflag:$0x1] =	stream.indirect.gather [hbm4b:s4+s15], $0x90, s24, s15, $0xb8;
	[tilespmem:$0x1FD80] =	vst v63  }
0x2c: {  	s28 =	smov.u32 s8;
	p0 =	sgt.s32 s8, $0x3;
	s24 =	simm.s32 $0x3  }
0x2d: {  	_ =	swait.ge [sflag:s22], $0x2400;
	s28 =	smov.u32 @p0 s24;
	p0 =	sne.s32 s11, $0x200  }
.Ltmp0:
0x2e: {  	[sflag:s22] =	ssyncset.done $0x0;
	(pc) =	sbr.rel @!p0 .LBB2_3-.Ltmp0, $4  }
0x2f: {  	s26 =	simm.s32 $0x200;
	s29 =	simm.s32 $0x18CC0;
	[sflag:s22] =	ssyncadd.s32 $0xFFFFDC00  }
0x30: {  	[spmem:s2] =	stream.indirect.scatter.add.f32 [tilespmem:s18], [sflag:$0x3], $0x90, s29, s15, $0xb8;
	[tilespmem:$0x1FD80] =	vst v63  }
0x31: {  	s25 =	simm.s32 $0x5;
	s24 =	sshll.u32 s28, $0x8;
	_ =	swait.ge [sflag:s13], $0x2400  }
0x32: {  	s28 =	sshra.s32 s24, $0x2;
	s24 =	simm.s32 $0x7;
	[sflag:s13] =	ssyncset.done $0x0  }
.LBB2_2:
0x33: {  	s25 =	smov.u32 s24;
	s28 =	sadd.s32 $0x16380, s28  }
0x34: {  	s29 =	smov.u32 s26;
	s26 =	sadd.s32 $0x200, s26;
	[sflag:s13] =	ssyncadd.s32 $0xFFFFDC00  }
0x35: {  	[tilespmem:s18], [sflag:$0x2] =	stream.indirect.gather [hbm4b:s4+s15], $0x90, s28, s15, $0xb8;
	[tilespmem:$0x1FD80] =	vst v63  }
0x36: {  	p0 =	sne.s32 s11, s26;
	_ =	swait.ge [sflag:s21], $0x2400  }
0x37: {  	s28 =	sshra.s32 s29, $0x2;
	s29 =	sadd.s32 $0xFFFFFFFD, s24;
	[sflag:s21] =	ssyncset.done $0x0  }
0x38: {  	s30 =	sadd.s32 $0x18C80, s28;
	p1 =	slt.s32 s29, s8;
	[sflag:s21] =	ssyncadd.s32 $0xFFFFDC00  }
0x39: {  	[spmem:s2] =	stream.indirect.scatter.add.f32 [tilespmem:s16], [sflag:$0x3], $0x90, s30, s15, $0xb8;
	[tilespmem:$0x1FD80] =	vst v63  }
0x3a: {  	s30 =	smov.u32 s8  }
0x3b: {  	_ =	swait.ge [sflag:s13], $0x2400;
	s30 =	smov.u32 @p1 s29  }
0x3c: {  	[sflag:s13] =	ssyncset.done $0x0;
	s29 =	sshll.u32 s30, $0x8  }
0x3d: {  	[sflag:s13] =	ssyncadd.s32 $0xFFFFDC00;
	s29 =	sshra.s32 s29, $0x2  }
0x3e: {  	s28 =	sadd.s32 $0x18CC0, s28;
	s29 =	sadd.s32 $0x16380, s29  }
0x3f: {  	[tilespmem:s16], [sflag:$0x1] =	stream.indirect.gather [hbm4b:s4+s15], $0x90, s29, s15, $0xb8;
	[tilespmem:$0x1FD80] =	vst v63  }
0x40: {  	s30 =	smov.u32 s8;
	s29 =	sadd.s32 $0xFFFFFFFE, s24;
	_ =	swait.ge [sflag:s22], $0x2400  }
.Ltmp1:
0x41: {  	p1 =	slt.s32 s29, s8;
	[sflag:s22] =	ssyncset.done $0x0;
	(pc) =	sbr.rel @p0 .LBB2_2-.Ltmp1, $4  }
0x42: {  	s30 =	smov.u32 @p1 s29;
	[sflag:s22] =	ssyncadd.s32 $0xFFFFDC00  }
0x43: {  	[spmem:s2] =	stream.indirect.scatter.add.f32 [tilespmem:s18], [sflag:$0x3], $0x90, s28, s15, $0xb8;
	[tilespmem:$0x1FD80] =	vst v63  }
0x44: {  	s28 =	sshll.u32 s30, $0x8;
	_ =	swait.ge [sflag:s13], $0x2400  }
0x45: {  	s24 =	sadd.s32 $0x2, s24;
	s28 =	sshra.s32 s28, $0x2;
	[sflag:s13] =	ssyncset.done $0x0  }
.LBB2_3:
0x46: {  	[sflag:s13] =	ssyncadd.s32 $0xFFFFDC00;
	s28 =	sadd.s32 $0x16380, s28  }
0x47: {  	[tilespmem:s18], [sflag:$0x2] =	stream.indirect.gather [hbm4b:s4+s15], $0x90, s28, s15, $0xb8;
	[tilespmem:$0x1FD80] =	vst v63  }
0x48: {  	s26 =	sshra.s32 s26, $0x2;
	s28 =	sadd.s32 $0xFFFFFFFD, s24;
	_ =	swait.ge [sflag:s21], $0x2400  }
0x49: {  	s29 =	smov.u32 s8;
	p0 =	slt.s32 s28, s8;
	[sflag:s21] =	ssyncset.done $0x0  }
0x4a: {  	s31 =	sadd.s32 $0x18C80, s26;
	s29 =	smov.u32 @p0 s28;
	[sflag:s21] =	ssyncadd.s32 $0xFFFFDC00  }
0x4b: {  	[spmem:s2] =	stream.indirect.scatter.add.f32 [tilespmem:s16], [sflag:$0x3], $0x90, s31, s15, $0xb8;
	[tilespmem:$0x1FD80] =	vst v63  }
0x4c: {  	s28 =	sshll.u32 s29, $0x8;
	_ =	swait.ge [sflag:s13], $0x2400  }
0x4d: {  	s28 =	sshra.s32 s28, $0x2;
	[sflag:s13] =	ssyncset.done $0x0  }
0x4e: {  	s28 =	sadd.s32 $0x16380, s28;
	[sflag:s13] =	ssyncadd.s32 $0xFFFFDC00  }
0x4f: {  	[tilespmem:s16], [sflag:$0x1] =	stream.indirect.gather [hbm4b:s4+s15], $0x90, s28, s15, $0xb8;
	[tilespmem:$0x1FD80] =	vst v63  }
0x50: {  	_ =	swait.ge [sflag:s22], $0x2400  }
0x51: {  	p0 =	slt.s32 s25, s8;
	s28 =	smov.u32 s8;
	[sflag:s22] =	ssyncset.done $0x0  }
0x52: {  	s29 =	sadd.s32 $0x18CC0, s26;
	s28 =	smov.u32 @p0 s25;
	[sflag:s22] =	ssyncadd.s32 $0xFFFFDC00  }
0x53: {  	[spmem:s2] =	stream.indirect.scatter.add.f32 [tilespmem:s18], [sflag:$0x3], $0x90, s29, s15, $0xb8;
	[tilespmem:$0x1FD80] =	vst v63  }
0x54: {  	s25 =	sshll.u32 s28, $0x8;
	_ =	swait.ge [sflag:s13], $0x2400  }
0x55: {  	s25 =	sshra.s32 s25, $0x2;
	[sflag:s13] =	ssyncset.done $0x0  }
0x56: {  	s25 =	sadd.s32 $0x16380, s25;
	[sflag:s13] =	ssyncadd.s32 $0xFFFFDC00  }
0x57: {  	[tilespmem:s18], [sflag:$0x2] =	stream.indirect.gather [hbm4b:s4+s15], $0x90, s25, s15, $0xb8;
	[tilespmem:$0x1FD80] =	vst v63  }
0x58: {  	s25 =	sadd.s32 $0xFFFFFFFF, s24;
	_ =	swait.ge [sflag:s21], $0x2400  }
0x59: {  	s28 =	smov.u32 s8;
	p0 =	slt.s32 s25, s8;
	[sflag:s21] =	ssyncset.done $0x0  }
0x5a: {  	s30 =	sadd.s32 $0x18D00, s26;
	s28 =	smov.u32 @p0 s25;
	[sflag:s21] =	ssyncadd.s32 $0xFFFFDC00  }
0x5b: {  	[spmem:s2] =	stream.indirect.scatter.add.f32 [tilespmem:s16], [sflag:$0x3], $0x90, s30, s15, $0xb8;
	[tilespmem:$0x1FD80] =	vst v63  }
0x5c: {  	s25 =	sshll.u32 s28, $0x6;
	_ =	swait.ge [sflag:s13], $0x2400  }
0x5d: {  	s25 =	sand.u32 $0x3FFFFFC0, s25;
	[sflag:s13] =	ssyncset.done $0x0  }
0x5e: {  	s25 =	sadd.s32 $0x16380, s25;
	[sflag:s13] =	ssyncadd.s32 $0xFFFFDC00  }
0x5f: {  	[tilespmem:s16], [sflag:$0x1] =	stream.indirect.gather [hbm4b:s4+s15], $0x90, s25, s15, $0xb8;
	[tilespmem:$0x1FD80] =	vst v63  }
0x60: {  	_ =	swait.ge [sflag:s22], $0x2400  }
0x61: {  	p0 =	slt.s32 s24, s8;
	s25 =	smov.u32 s8;
	[sflag:s22] =	ssyncset.done $0x0  }
0x62: {  	s31 =	sadd.s32 $0x18D40, s26;
	s25 =	smov.u32 @p0 s24;
	[sflag:s22] =	ssyncadd.s32 $0xFFFFDC00  }
0x63: {  	[spmem:s2] =	stream.indirect.scatter.add.f32 [tilespmem:s18], [sflag:$0x3], $0x90, s31, s15, $0xb8;
	[tilespmem:$0x1FD80] =	vst v63  }
0x64: {  	s24 =	sshll.u32 s25, $0x6;
	_ =	swait.ge [sflag:s13], $0x2400  }
0x65: {  	s24 =	sand.u32 $0x3FFFFFC0, s24;
	[sflag:s13] =	ssyncset.done $0x0  }
0x66: {  	s24 =	sadd.s32 $0x16380, s24;
	[sflag:s13] =	ssyncadd.s32 $0xFFFFDC00  }
0x67: {  	[tilespmem:s18], [sflag:$0x2] =	stream.indirect.gather [hbm4b:s4+s15], $0x90, s24, s15, $0xb8;
	[tilespmem:$0x1FD80] =	vst v63  }
0x68: {  	_ =	swait.ge [sflag:s21], $0x2400  }
0x69: {  	[sflag:s21] =	ssyncset.done $0x0  }
0x6a: {  	[sflag:s21] =	ssyncadd.s32 $0xFFFFDC00  }
0x6b: {  	_ =	swait.ge [sflag:s22], $0x2400  }
0x6c: {  	s23 =	sadd.s32 $0x1, s23;
	[sflag:s22] =	ssyncset.done $0x0  }
0x6d: {  	p0 =	sne.s32 s23, s10;
	[sflag:s22] =	ssyncadd.s32 $0xFFFFDC00  }
.Ltmp2:
0x6e: {  	[bflag:$0x0] =	sbarrier.arrive $0xFFFF;
	(pc) =	sbr.rel @p0 .LBB2_1-.Ltmp2, $4  }
0x6f: {  	[hbm:s9], [sflag:s19] =	dma.local [spmem:s20], $0x2C70  }
0x70: {  	_ =	swait.ge [sflag:s13], $0x2C70  }
0x71: {  	[sflag:s13] =	ssyncset.done $0x0  }
0x72: {  	[sflag:s13] =	ssyncadd.s32 $0xFFFFD390  }
0x73: {  	_ =	sfence.sel $0x180000  }
0x74: {  	[bflag:$0x0] =	sbarrier.arrive $0xFFFF  }
0x75: {  	p0 =	sne.s32 s0, $0x0;
	_ =	strace $0x90000047  }
0x76: {  	s0 =	sadd.s32 @!p0 $0x100000, s1;
	[bflag:$0x2] =	sbarrier.arrive $0xFFFF  }
0x77: {  	[sflag:s0] =	ssyncadd.tile.s32 @!p0 $0x1;
	_ =	shalt  }
.Lfunc_end2:
_tile_overlayer_lowered:
.L_overlay_start_2:
0x78: {  	(tag) =	ssettag $0x2  }
0x79: {  	s0 =	rddreg [dreg:$0x0];
	s2 =	stileid.u32  }
0x7a: {  	s1 =	rddreg [dreg:$0x1];
	p0 =	sne.s32 s2, $0x0  }
0x7b: {  	s3 =	rddreg [dreg:$0x2];
	[bflag:$0x3] =	sbarrier.arrive $0xFFFF;
	s2 =	simm.s32 @!p0 $0x1C03  }
0x7c: {  	[timem:s3], [sflag:s2] =	dma.local @!p0 [hbm:s0], s1  }
0x7d: {  	s0 =	simm.s32 @!p0 $0x3  }
0x7e: {  	_ =	swait.ge @!p0 [sflag:s0], s1  }
0x7f: {  	s1 =	ssub.s32 @!p0 $0x0, s1;
	[sflag:s0] =	ssyncset.done @!p0 $0x0  }
0x80: {  	[sflag:s0] =	ssyncadd.s32 @!p0 s1  }
0x81: {  	[bflag:$0x3] =	sbarrier.arrive $0xFFFF  }
0x82: {  	_ =	shalt  }

// kernel: kernel.9.cloned.1.call-start
scs
__scs_entry_jumppad:
0x0: {  	(pc) =	sbr.rel $0x88, $3  }
0x1: {  	(tag) =	ssettag $0x0;
	lr =	simm.s32 $0x1  }
0x2: {  	[smem:$0x3F99] =	sst lr;
	_ =	strace $0xD0000000  }
0x3: {  	_ = 	snop  }
0x4: {  	_ = 	snop  }
0x5: {  	_ = 	snop  }
0x6: {  	_ = 	snop  }
0x7: {  	_ = 	snop  }
__scs_overlays_trampoline_lowered:
0x8: {  	[smem:$0x3FA8] =	sst s0  }
0x9: {  	[smem:$0x3FA9] =	sst s1  }
0xa: {  	[smem:$0x3FAA] =	sst s2  }
0xb: {  	[smem:$0x3FAB] =	sst s3  }
0xc: {  	[smem:$0x3FAC] =	sst s4  }
0xd: {  	[smem:$0x3FAD] =	sst s5  }
0xe: {  	[smem:$0x3FAE] =	sst s6  }
0xf: {  	[smem:$0x3FAF] =	sst s7  }
0x10: {  	[smem:$0x3FB0] =	sst s8  }
0x11: {  	[smem:$0x3FB1] =	sst s9;
	s0 =	simm.s32 @!p0 $0x0  }
0x12: {  	s1 =	sld [smem:$0x3F97];
	s0 =	simm.s32 @p0 $0x1  }
0x13: {  	[smem:$0x3FB2] =	sst s0;
	s0 =	simm.s32 @!p1 $0x0  }
0x14: {  	s2 =	sld [smem:$0x3F96];
	s0 =	simm.s32 @p1 $0x1  }
0x15: {  	[smem:$0x3FB3] =	sst s0;
	s0 =	simm.s32 @!p2 $0x0  }
0x16: {  	s3 =	sld [smem:$0x3FDB];
	s0 =	simm.s32 @p2 $0x1  }
0x17: {  	s4 =	simm.s32 $0x1BF5;
	[smem:$0x3FB5] =	sst s0  }
0x18: {  	s0 =	sld [smem:$0x3F98];
	_ =	swait.ge [sflag:s4], $0x0  }
0x19: {  	s7 =	sld [smem:$0x3F99]  }
0x1a: {  	s8 =	sadd.s32 $0xFFFFE003, lr  }
0x1b: {  	s9 =	sadd.s32 $0xFFFFFEF7, lr;
	s5 =	simm.s32 $0xFFFFFFFF;
	p2 =	slt.u32 s8, $0xFFFFF086  }
0x1c: {  	p1 =	slt.u32 s9, $0xF7A;
	s5 =	simm.s32 @!p2 $0x0  }
0x1d: {  	s5 =	simm.s32 @p1 $0x1;
	p0 =	seq.s32 s7, s2  }
0x1e: {  	s7 =	smul.u32 @!p0 $0xF7A, s2;
	p2 =	seq.s32 @!p0 s5, $0x0  }
0x1f: {  	s9 =	smul.u32 $0xF7A, s1;
	s8 =	simm.s32 @!p0 $0x1BF5;
	p2 =	por !p2, p0  }
0x20: {  	[sflag:s8] =	ssyncset.s32 @!p0 $0xFFFFF086;
	s6 =	sadd.s32 @!p0 s3, s7;
	s7 =	simm.s32 @!p0 $0x108  }
0x21: {  	s3 =	sadd.s32 s3, s9;
	s6 =	sadd.s32 @!p0 $0x88, s6;
	s7 =	simm.s32 @p2 $0x1082  }
0x22: {  	[simem:s7], [sflag:s8] =	dma.local @!p0 [hbm:s6], $0xF7A  }
0x23: {  	s9 =	sor.u32 $0xD0000000, s2;
	s6 =	simm.s32 $0x108;
	_ =	swait.ge @!p0 [sflag:s8], $0x0  }
0x24: {  	s3 =	sadd.s32 $0x88, s3;
	s6 =	simm.s32 @!p1 $0x1082;
	[sflag:s4] =	ssyncset.s32 $0xFFFFF086  }
0x25: {  	[simem:s6], [sflag:s4] =	dma.local [hbm:s3], $0xF7A  }
0x26: {  	[smem:$0x3F99] =	sst s1;
	(tag) =	ssettag s2;
	_ =	strace s9  }
0x27: {  	s1 =	sld [smem:$0x3FA9]  }
0x28: {  	s2 =	sld [smem:$0x3FAA]  }
0x29: {  	s4 =	sld [smem:$0x3FAC]  }
0x2a: {  	p0 =	seq.s32 s5, $0x0;
	s5 =	sld [smem:$0x3FAD]  }
0x2b: {  	s6 =	sld [smem:$0x3FAE]  }
0x2c: {  	s7 =	sld [smem:$0x3FAF]  }
0x2d: {  	s3 =	simm.s32 $0x108;
	s8 =	sld [smem:$0x3FB0]  }
0x2e: {  	s3 =	simm.s32 @!p0 $0x1082;
	s9 =	sld [smem:$0x3FB1]  }
0x2f: {  	lr =	sadd.s32 s0, s3;
	s0 =	sld [smem:$0x3FA8]  }
0x30: {  	s3 =	sld [smem:$0x3FAB]  }
0x31: {  	[smem:$0x3FB4] =	sst s10  }
0x32: {  	s10 =	sld [smem:$0x3FB2];
	_ =	sdelay $0x3  }
0x33: {  	p0 =	seq.s32 s10, $0x1;
	s10 =	sld [smem:$0x3FB4];
	_ =	sdelay $0x3  }
0x34: {  	[smem:$0x3FB4] =	sst s10  }
0x35: {  	s10 =	sld [smem:$0x3FB3];
	_ =	sdelay $0x3  }
0x36: {  	p1 =	seq.s32 s10, $0x1;
	s10 =	sld [smem:$0x3FB4];
	_ =	sdelay $0x3  }
0x37: {  	[smem:$0x3FB4] =	sst s10  }
0x38: {  	s10 =	sld [smem:$0x3FB5]  }
0x39: {  	_ = 	snop;
	(pc) =	sbr.ind lr, $3  }
0x3a: {  	_ = 	snop  }
0x3b: {  	_ = 	snop  }
0x3c: {  	p2 =	seq.s32 s10, $0x1;
	s10 =	sld [smem:$0x3FB4]  }
0x3d: {  	_ =	shalt  }
0x3e: {  	_ =	shalt  }
0x3f: {  	_ =	shalt  }
0x40: {  	_ =	shalt  }
0x41: {  	_ =	shalt  }
0x42: {  	_ =	shalt  }
0x43: {  	_ =	shalt  }
0x44: {  	_ =	shalt  }
0x45: {  	_ =	shalt  }
0x46: {  	_ =	shalt  }
0x47: {  	_ =	shalt  }
0x48: {  	_ =	shalt  }
0x49: {  	_ =	shalt  }
0x4a: {  	_ =	shalt  }
0x4b: {  	_ =	shalt  }
0x4c: {  	_ =	shalt  }
0x4d: {  	_ =	shalt  }
0x4e: {  	_ =	shalt  }
0x4f: {  	_ =	shalt  }
0x50: {  	_ =	shalt  }
0x51: {  	_ =	shalt  }
0x52: {  	_ =	shalt  }
0x53: {  	_ =	shalt  }
0x54: {  	_ =	shalt  }
0x55: {  	_ =	shalt  }
0x56: {  	_ =	shalt  }
0x57: {  	_ =	shalt  }
0x58: {  	_ =	shalt  }
0x59: {  	_ =	shalt  }
0x5a: {  	_ =	shalt  }
0x5b: {  	_ =	shalt  }
0x5c: {  	_ =	shalt  }
0x5d: {  	_ =	shalt  }
0x5e: {  	_ =	shalt  }
0x5f: {  	_ =	shalt  }
0x60: {  	_ =	shalt  }
0x61: {  	_ =	shalt  }
0x62: {  	_ =	shalt  }
0x63: {  	_ =	shalt  }
0x64: {  	_ =	shalt  }
0x65: {  	_ =	shalt  }
0x66: {  	_ =	shalt  }
0x67: {  	_ =	shalt  }
0x68: {  	_ =	shalt  }
0x69: {  	_ =	shalt  }
0x6a: {  	_ =	shalt  }
0x6b: {  	_ =	shalt  }
0x6c: {  	_ =	shalt  }
0x6d: {  	_ =	shalt  }
0x6e: {  	_ =	shalt  }
0x6f: {  	_ =	shalt  }
0x70: {  	_ =	shalt  }
0x71: {  	_ =	shalt  }
0x72: {  	_ =	shalt  }
0x73: {  	_ =	shalt  }
0x74: {  	_ =	shalt  }
0x75: {  	_ =	shalt  }
0x76: {  	_ =	shalt  }
0x77: {  	_ =	shalt  }
0x78: {  	_ =	shalt  }
0x79: {  	_ =	shalt  }
0x7a: {  	_ =	shalt  }
0x7b: {  	_ =	shalt  }
0x7c: {  	_ =	shalt  }
0x7d: {  	_ =	shalt  }
0x7e: {  	_ =	shalt  }
0x7f: {  	_ =	shalt  }
0x80: {  	_ =	shalt  }
0x81: {  	_ =	shalt  }
0x82: {  	_ =	shalt  }
0x83: {  	_ =	shalt  }
0x84: {  	_ =	shalt  }
0x85: {  	_ =	shalt  }
0x86: {  	_ =	shalt  }
0x87: {  	_ =	shalt  }
.Lfunc_end0:
.L_simem_size_0:
called_computation.1_lowered:
.L_overlay_start_0:
0x88: {  	s2 =	sld [smem:$0x3FD9]  }
0x89: {  	s3 =	sld [smem:$0x3FFE];
	_ =	sdelay $0x1  }
0x8a: {  	s1 =	srdreg.scid  }
0x8b: {  	s0 =	sand.u32 $0x1, s1  }
0x8c: {  	s17 =	sshll.u32 s0, $0xA;
	s2 =	sadd.s32 s3, s2  }
0x8d: {  	s2 =	sadd.s32 s2, s17  }
0x8e: {  	[smem:$0x3FC0] =	sst s2  }
0x8f: {  	_ = 	snop  }
0x90: {  	s2 =	sld [smem:$0x3FD0];
	(tm) =	ssettm $0x1  }
0x91: {  	s18 =	sld [smem:$0x3FFB];
	_ =	sdelay $0x3  }
0x92: {  	_ =	strace s18  }
0x93: {  	s3 =	sld [smem:$0x3FFC];
	_ =	sdelay $0x3  }
0x94: {  	_ =	strace s3  }
0x95: {  	s3 =	sld [smem:$0x3FFD];
	_ =	sdelay $0x3  }
0x96: {  	_ =	strace s3  }
0x97: {  	_ =	strace $0x8FFFFFFF  }
0x98: {  	s19 =	sld [smem:$0x3FDB];
	_ =	sdelay $0x1  }
0x99: {  	s4 =	simm.s32 $_scs_section_size  }
0x9a: {  	s5 =	simm.s32 $_size__tile_overlayer_lowered;
	s6 =	simm.s32 $_tile_overlayer_lowered  }
0x9b: {  	s22 =	simm.s32 $0x1BFF;
	s21 =	sshll.u32 s6, $0x1;
	s3 =	sadd.s32 s4, s19  }
0x9c: {  	s7 =	simm.s32 $0x0;
	s20 =	sshll.u32 s5, $0x1;
	s5 =	sadd.s32 s21, s3  }
0x9d: {  	[timem:s7], [sflag:s22] =	dma.local [hbm:s5], s20  }
0x9e: {  	_ =	swait.ge [sflag:s22], s20  }
0x9f: {  	s4 =	ssub.s32 $0x0, s20;
	[sflag:s22] =	ssyncset.done $0x0  }
0xa0: {  	[sflag:s22] =	ssyncadd.s32 s4;
	_ =	sdelay $0x1  }
0xa1: {  	s23 =	simm.s32 $0x1B8B  }
0xa2: {  	_ =	swait.ge [sflag:s23], $0x1  }
0xa3: {  	[sflag:s23] =	ssyncset.done $0x0  }
0xa4: {  	s25 =	simm.s32 $0x1B8E;
	s24 =	sld [smem:$0x3FFE];
	[sflag:s23] =	ssyncadd.s32 $0xFFFFFFFF  }
0xa5: {  	s26 =	simm.s32 $execute0_lowered;
	[smem:$0x3FD2] =	sst s25  }
0xa6: {  	s5 =	sshll.u32 s26, $0x1;
	_ =	strace $0x80000049;
	[dreg:$0x1] =	wrdreg $0xFFFFFFFF  }
0xa7: {  	s28 =	simm.s32 $_size_execute0_lowered;
	s3 =	sadd.s32 s3, s5;
	[dreg:$0x0] =	wrdreg $0x0  }
0xa8: {  	s5 =	sshll.u32 s28, $0x1;
	[dreg:$0x2] =	wrdreg s3  }
0xa9: {  	[dreg:$0x3] =	wrdreg s5  }
0xaa: {  	[dreg:$0x4] =	wrdreg $0xC0  }
0xab: {  	_ =	task [dreg:s7], $0x5FFFF  }
0xac: {  	[dreg:$0x1] =	wrdreg $0xFFFFFFFF  }
0xad: {  	[dreg:$0x0] =	wrdreg $0x60  }
0xae: {  	[dreg:$0x2] =	wrdreg s2  }
0xaf: {  	[dreg:$0x3] =	wrdreg s24  }
0xb0: {  	[dreg:$0x4] =	wrdreg $0x0  }
0xb1: {  	[dreg:$0x5] =	wrdreg $0x9  }
0xb2: {  	_ =	task.clear_ibuf [dreg:s7], $0x6FFFF;
	_ =	strace $0x90000049  }
0xb3: {  	s29 =	simm.s32 $0x9;
	_ =	strace $0x8000004B  }
0xb4: {  	_ =	swait.ge [sflag:s29], $0x1  }
0xb5: {  	[sflag:s29] =	ssyncadd.s32 $0xFFFFFFFF  }
0xb6: {  	_ =	strace $0x9000004B  }
0xb7: {  	_ =	sfence  }
0xb8: {  	s30 =	sld [smem:$0x0];
	_ =	sdelay $0x2  }
0xb9: {  	s31 =	sshll.u32 s1, $0xD;
	s1 =	sshrl.u32 s1, $0x2  }
0xba: {  	s3 =	sand.u32 $0x4000, s31;
	s1 =	sadd.s32 s1, s30  }
0xbb: {  	s0 =	sor.u32 s3, s0;
	s1 =	sshll.u32 s1, $0x11  }
0xbc: {  	s0 =	sor.u32 s1, s0  }
0xbd: {  	s0 =	sadd.s32 $0x8F2B, s0  }
0xbe: {  	[sflag:s0] =	ssyncadd.remote.s32 $0x1  }
0xbf: {  	_ =	sfence.sel $0xFFFF  }
0xc0: {  	[dreg:$0x0] =	wrdreg $0xFFFFFFFF;
	(pc) =	sbr.abs _section_cstart, $3  }
0xc1: {  	[dreg:$0x1] =	wrdreg $0xFFFFFFFF  }
0xc2: {  	_ =	task.clear_ibuf [dreg:s7], $0x2FFFF;
	_ =	strace $0x9FFFFFFF  }
0xc3: {  	(tm) =	ssettm $0x7FFFFFFF  }
tec
execute0_lowered:
.L_overlay_start_1:
0x0: {  	(tag) =	ssettag $0x1  }
0x1: {  	s1 =	rddreg [dreg:$0x0]  }
0x2: {  	s6 =	rddreg [dreg:$0x1]  }
0x3: {  	s0 =	srdreg.scid;
	s3 =	rddreg [dreg:$0x2];
	s4 =	simm.s32 $0x0  }
0x4: {  	s13 =	simm.s32 $0xA4;
	s14 =	simm.s32 $0x16500;
	s15 =	simm.s32 $0x40  }
0x5: {  	s16 =	simm.s32 $0x18E00;
	s17 =	simm.s32 $0x13C40;
	s18 =	simm.s32 $0x1AE00  }
0x6: {  	s21 =	simm.s32 $0x1;
	s5 =	sand.u32 $0x1, s0;
	s0 =	stileid.u32  }
0x7: {  	s22 =	simm.s32 $0x2;
	s23 =	simm.s32 $0x0;
	s9 =	smul.u32 $0x13C00, s0  }
0x8: {  	[smem:$0x7FF] =	sst s4;
	s2 =	sshll.u32 s5, $0x4;
	s10 =	smul.u32 $0x13C000, s5  }
0x9: {  	s5 =	ssub.s32 $0x2, s5;
	s19 =	sshll.u32 s0, $0x6;
	s7 =	sor.u32 s0, s2  }
0xa: {  	s2 =	rddreg [dreg:$0x3];
	_ =	strace $0x8000004A;
	s12 =	sshrl.u32 s5, $0x1  }
0xb: {  	s19 =	sor.u32 $0x1C03, s19;
	s8 =	smul.u32 $0x2700, s7;
	s11 =	sshrl.u32 s9, $0x3  }
0xc: {  	s10 =	sadd.s32 s9, s10;
	s12 =	ssub.s32 s5, s12;
	p0 =	seq.s32 s7, $0x1F  }
0xd: {  	s20 =	sadd.s32 s9, s3;
	s11 =	sadd.s32 s11, s6;
	s10 =	sshrl.u32 s10, $0x3  }
0xe: {  	s13 =	simm.s32 @!p0 $0x9C;
	s20 =	sshrl.u32 s20, $0x3;
	s8 =	sshrl.u32 s8, $0x3  }
0xf: {  	s10 =	sadd.s32 s10, s6;
	s7 =	sadd.s32 $0x15600, s11;
	s31 =	sshll.u32 s13, $0x8  }
0x10: {  	s8 =	sadd.s32 s8, s6;
	s9 =	sadd.s32 $0x3CE00, s10;
	s10 =	smax.u32 s12, $0x1  }
0x11: {  	s11 =	sadd.s32 $0xFFFFFC00, s31;
	s12 =	simm.s32 $0x13C00;
	s5 =	sadd.s32 $0x1C00, s8  }
0x12: {  	s6 =	sadd.s32 $0xB840, s8;
	s8 =	sadd.s32 $0xFFFFFFFF, s13;
	s13 =	simm.s32 $0x3  }
.LBB2_1:
0x13: {  	[tilespmem:s12], [sflag:$0x3] =	stream.linear.gather [hbm4b:s5+s4], $0x2900, $0x38;
	[tilespmem:$0x1CE00] =	vst v63  }
0x14: {  	_ =	swait.ge [sflag:s13], $0x2900  }
0x15: {  	[sflag:s13] =	ssyncset.done $0x0  }
0x16: {  	[sflag:s13] =	ssyncadd.s32 $0xFFFFD700  }
0x17: {  	[tilespmem:s14], [sflag:$0x3] =	stream.linear.gather [hbm4b:s6+s4], $0x2900, $0x38;
	[tilespmem:$0x1CE00] =	vst v63  }
0x18: {  	_ =	swait.ge [sflag:s13], $0x2900  }
0x19: {  	[sflag:s13] =	ssyncset.done $0x0  }
0x1a: {  	[sflag:s13] =	ssyncadd.s32 $0xFFFFD700  }
0x1b: {  	[tilespmem:s16], [sflag:$0x1] =	stream.indirect.gather [hbm4b:s1+s15], $0x80, s12, s15, $0xb8;
	[tilespmem:$0x1CE00] =	vst v63  }
0x1c: {  	_ = 	snop  }
0x1d: {  	[tilespmem:s18], [sflag:$0x2] =	stream.indirect.gather [hbm4b:s1+s15], $0x80, s17, s15, $0xb8;
	[tilespmem:$0x1CE00] =	vst v63  }
0x1e: {  	[spmem:s20], [sflag:s19] =	dma.local [hbm:s7], $0x2780  }
0x1f: {  	_ =	swait.ge [sflag:s13], $0x2780  }
0x20: {  	[sflag:s13] =	ssyncset.done $0x0  }
0x21: {  	[sflag:s13] =	ssyncadd.s32 $0xFFFFD880  }
0x22: {  	[bflag:$0x0] =	sbarrier.arrive $0xFFFF  }
0x23: {  	_ =	swait.ge [sflag:s21], $0x2000  }
0x24: {  	[sflag:s21] =	ssyncset.done $0x0  }
0x25: {  	s25 =	simm.s32 $0x16500;
	[sflag:s21] =	ssyncadd.s32 $0xFFFFE000  }
0x26: {  	[spmem:s3] =	stream.indirect.scatter.add.f32 [tilespmem:s16], [sflag:$0x3], $0x80, s25, s15, $0xb8;
	[tilespmem:$0x1CE00] =	vst v63  }
0x27: {  	s24 =	simm.s32 $0x2;
	p0 =	sgt.s32 s8, $0x2;
	s25 =	smov.u32 s8  }
0x28: {  	s25 =	smov.u32 @p0 s24  }
0x29: {  	_ =	swait.ge [sflag:s13], $0x2000;
	s24 =	sshll.u32 s25, $0x8  }
0x2a: {  	[sflag:s13] =	ssyncset.done $0x0;
	s24 =	sshra.s32 s24, $0x2  }
0x2b: {  	[sflag:s13] =	ssyncadd.s32 $0xFFFFE000;
	s24 =	sadd.s32 $0x13C00, s24  }
0x2c: {  	[tilespmem:s16], [sflag:$0x1] =	stream.indirect.gather [hbm4b:s1+s15], $0x80, s24, s15, $0xb8;
	[tilespmem:$0x1CE00] =	vst v63  }
0x2d: {  	s28 =	smov.u32 s8;
	p0 =	sgt.s32 s8, $0x3;
	s24 =	simm.s32 $0x3  }
0x2e: {  	_ =	swait.ge [sflag:s22], $0x2000;
	s28 =	smov.u32 @p0 s24;
	p0 =	sne.s32 s11, $0x200  }
.Ltmp0:
0x2f: {  	[sflag:s22] =	ssyncset.done $0x0;
	(pc) =	sbr.rel @!p0 .LBB2_3-.Ltmp0, $4  }
0x30: {  	s26 =	simm.s32 $0x200;
	s29 =	simm.s32 $0x16540;
	[sflag:s22] =	ssyncadd.s32 $0xFFFFE000  }
0x31: {  	[spmem:s3] =	stream.indirect.scatter.add.f32 [tilespmem:s18], [sflag:$0x3], $0x80, s29, s15, $0xb8;
	[tilespmem:$0x1CE00] =	vst v63  }
0x32: {  	s25 =	simm.s32 $0x5;
	s24 =	sshll.u32 s28, $0x8;
	_ =	swait.ge [sflag:s13], $0x2000  }
0x33: {  	s28 =	sshra.s32 s24, $0x2;
	s24 =	simm.s32 $0x7;
	[sflag:s13] =	ssyncset.done $0x0  }
.LBB2_2:
0x34: {  	s25 =	smov.u32 s24;
	s28 =	sadd.s32 $0x13C00, s28  }
0x35: {  	s29 =	smov.u32 s26;
	s26 =	sadd.s32 $0x200, s26;
	[sflag:s13] =	ssyncadd.s32 $0xFFFFE000  }
0x36: {  	[tilespmem:s18], [sflag:$0x2] =	stream.indirect.gather [hbm4b:s1+s15], $0x80, s28, s15, $0xb8;
	[tilespmem:$0x1CE00] =	vst v63  }
0x37: {  	p0 =	sne.s32 s11, s26;
	_ =	swait.ge [sflag:s21], $0x2000  }
0x38: {  	s28 =	sshra.s32 s29, $0x2;
	s29 =	sadd.s32 $0xFFFFFFFD, s24;
	[sflag:s21] =	ssyncset.done $0x0  }
0x39: {  	s30 =	sadd.s32 $0x16500, s28;
	p1 =	slt.s32 s29, s8;
	[sflag:s21] =	ssyncadd.s32 $0xFFFFE000  }
0x3a: {  	[spmem:s3] =	stream.indirect.scatter.add.f32 [tilespmem:s16], [sflag:$0x3], $0x80, s30, s15, $0xb8;
	[tilespmem:$0x1CE00] =	vst v63  }
0x3b: {  	s30 =	smov.u32 s8  }
0x3c: {  	_ =	swait.ge [sflag:s13], $0x2000;
	s30 =	smov.u32 @p1 s29  }
0x3d: {  	[sflag:s13] =	ssyncset.done $0x0;
	s29 =	sshll.u32 s30, $0x8  }
0x3e: {  	[sflag:s13] =	ssyncadd.s32 $0xFFFFE000;
	s29 =	sshra.s32 s29, $0x2  }
0x3f: {  	s28 =	sadd.s32 $0x16540, s28;
	s29 =	sadd.s32 $0x13C00, s29  }
0x40: {  	[tilespmem:s16], [sflag:$0x1] =	stream.indirect.gather [hbm4b:s1+s15], $0x80, s29, s15, $0xb8;
	[tilespmem:$0x1CE00] =	vst v63  }
0x41: {  	s30 =	smov.u32 s8;
	s29 =	sadd.s32 $0xFFFFFFFE, s24;
	_ =	swait.ge [sflag:s22], $0x2000  }
.Ltmp1:
0x42: {  	p1 =	slt.s32 s29, s8;
	[sflag:s22] =	ssyncset.done $0x0;
	(pc) =	sbr.rel @p0 .LBB2_2-.Ltmp1, $4  }
0x43: {  	s30 =	smov.u32 @p1 s29;
	[sflag:s22] =	ssyncadd.s32 $0xFFFFE000  }
0x44: {  	[spmem:s3] =	stream.indirect.scatter.add.f32 [tilespmem:s18], [sflag:$0x3], $0x80, s28, s15, $0xb8;
	[tilespmem:$0x1CE00] =	vst v63  }
0x45: {  	s28 =	sshll.u32 s30, $0x8;
	_ =	swait.ge [sflag:s13], $0x2000  }
0x46: {  	s24 =	sadd.s32 $0x2, s24;
	s28 =	sshra.s32 s28, $0x2;
	[sflag:s13] =	ssyncset.done $0x0  }
.LBB2_3:
0x47: {  	[sflag:s13] =	ssyncadd.s32 $0xFFFFE000;
	s28 =	sadd.s32 $0x13C00, s28  }
0x48: {  	[tilespmem:s18], [sflag:$0x2] =	stream.indirect.gather [hbm4b:s1+s15], $0x80, s28, s15, $0xb8;
	[tilespmem:$0x1CE00] =	vst v63  }
0x49: {  	s26 =	sshra.s32 s26, $0x2;
	s28 =	sadd.s32 $0xFFFFFFFD, s24;
	_ =	swait.ge [sflag:s21], $0x2000  }
0x4a: {  	s29 =	smov.u32 s8;
	p0 =	slt.s32 s28, s8;
	[sflag:s21] =	ssyncset.done $0x0  }
0x4b: {  	s31 =	sadd.s32 $0x16500, s26;
	s29 =	smov.u32 @p0 s28;
	[sflag:s21] =	ssyncadd.s32 $0xFFFFE000  }
0x4c: {  	[spmem:s3] =	stream.indirect.scatter.add.f32 [tilespmem:s16], [sflag:$0x3], $0x80, s31, s15, $0xb8;
	[tilespmem:$0x1CE00] =	vst v63  }
0x4d: {  	s28 =	sshll.u32 s29, $0x8;
	_ =	swait.ge [sflag:s13], $0x2000  }
0x4e: {  	s28 =	sshra.s32 s28, $0x2;
	[sflag:s13] =	ssyncset.done $0x0  }
0x4f: {  	s28 =	sadd.s32 $0x13C00, s28;
	[sflag:s13] =	ssyncadd.s32 $0xFFFFE000  }
0x50: {  	[tilespmem:s16], [sflag:$0x1] =	stream.indirect.gather [hbm4b:s1+s15], $0x80, s28, s15, $0xb8;
	[tilespmem:$0x1CE00] =	vst v63  }
0x51: {  	_ =	swait.ge [sflag:s22], $0x2000  }
0x52: {  	p0 =	slt.s32 s25, s8;
	s28 =	smov.u32 s8;
	[sflag:s22] =	ssyncset.done $0x0  }
0x53: {  	s29 =	sadd.s32 $0x16540, s26;
	s28 =	smov.u32 @p0 s25;
	[sflag:s22] =	ssyncadd.s32 $0xFFFFE000  }
0x54: {  	[spmem:s3] =	stream.indirect.scatter.add.f32 [tilespmem:s18], [sflag:$0x3], $0x80, s29, s15, $0xb8;
	[tilespmem:$0x1CE00] =	vst v63  }
0x55: {  	s25 =	sshll.u32 s28, $0x8;
	_ =	swait.ge [sflag:s13], $0x2000  }
0x56: {  	s25 =	sshra.s32 s25, $0x2;
	[sflag:s13] =	ssyncset.done $0x0  }
0x57: {  	s25 =	sadd.s32 $0x13C00, s25;
	[sflag:s13] =	ssyncadd.s32 $0xFFFFE000  }
0x58: {  	[tilespmem:s18], [sflag:$0x2] =	stream.indirect.gather [hbm4b:s1+s15], $0x80, s25, s15, $0xb8;
	[tilespmem:$0x1CE00] =	vst v63  }
0x59: {  	s25 =	sadd.s32 $0xFFFFFFFF, s24;
	_ =	swait.ge [sflag:s21], $0x2000  }
0x5a: {  	s28 =	smov.u32 s8;
	p0 =	slt.s32 s25, s8;
	[sflag:s21] =	ssyncset.done $0x0  }
0x5b: {  	s30 =	sadd.s32 $0x16580, s26;
	s28 =	smov.u32 @p0 s25;
	[sflag:s21] =	ssyncadd.s32 $0xFFFFE000  }
0x5c: {  	[spmem:s3] =	stream.indirect.scatter.add.f32 [tilespmem:s16], [sflag:$0x3], $0x80, s30, s15, $0xb8;
	[tilespmem:$0x1CE00] =	vst v63  }
0x5d: {  	s25 =	sshll.u32 s28, $0x6;
	_ =	swait.ge [sflag:s13], $0x2000  }
0x5e: {  	s25 =	sand.u32 $0x3FFFFFC0, s25;
	[sflag:s13] =	ssyncset.done $0x0  }
0x5f: {  	s25 =	sadd.s32 $0x13C00, s25;
	[sflag:s13] =	ssyncadd.s32 $0xFFFFE000  }
0x60: {  	[tilespmem:s16], [sflag:$0x1] =	stream.indirect.gather [hbm4b:s1+s15], $0x80, s25, s15, $0xb8;
	[tilespmem:$0x1CE00] =	vst v63  }
0x61: {  	_ =	swait.ge [sflag:s22], $0x2000  }
0x62: {  	p0 =	slt.s32 s24, s8;
	s25 =	smov.u32 s8;
	[sflag:s22] =	ssyncset.done $0x0  }
0x63: {  	s31 =	sadd.s32 $0x165C0, s26;
	s25 =	smov.u32 @p0 s24;
	[sflag:s22] =	ssyncadd.s32 $0xFFFFE000  }
0x64: {  	[spmem:s3] =	stream.indirect.scatter.add.f32 [tilespmem:s18], [sflag:$0x3], $0x80, s31, s15, $0xb8;
	[tilespmem:$0x1CE00] =	vst v63  }
0x65: {  	s24 =	sshll.u32 s25, $0x6;
	_ =	swait.ge [sflag:s13], $0x2000  }
0x66: {  	s24 =	sand.u32 $0x3FFFFFC0, s24;
	[sflag:s13] =	ssyncset.done $0x0  }
0x67: {  	s24 =	sadd.s32 $0x13C00, s24;
	[sflag:s13] =	ssyncadd.s32 $0xFFFFE000  }
0x68: {  	[tilespmem:s18], [sflag:$0x2] =	stream.indirect.gather [hbm4b:s1+s15], $0x80, s24, s15, $0xb8;
	[tilespmem:$0x1CE00] =	vst v63  }
0x69: {  	_ =	swait.ge [sflag:s21], $0x2000  }
0x6a: {  	[sflag:s21] =	ssyncset.done $0x0  }
0x6b: {  	[sflag:s21] =	ssyncadd.s32 $0xFFFFE000  }
0x6c: {  	_ =	swait.ge [sflag:s22], $0x2000  }
0x6d: {  	s23 =	sadd.s32 $0x1, s23;
	[sflag:s22] =	ssyncset.done $0x0  }
0x6e: {  	p0 =	sne.s32 s23, s10;
	[sflag:s22] =	ssyncadd.s32 $0xFFFFE000  }
.Ltmp2:
0x6f: {  	[bflag:$0x0] =	sbarrier.arrive $0xFFFF;
	(pc) =	sbr.rel @p0 .LBB2_1-.Ltmp2, $4  }
0x70: {  	[hbm:s9], [sflag:s19] =	dma.local [spmem:s20], $0x2780  }
0x71: {  	_ =	swait.ge [sflag:s13], $0x2780  }
0x72: {  	[sflag:s13] =	ssyncset.done $0x0  }
0x73: {  	[sflag:s13] =	ssyncadd.s32 $0xFFFFD880  }
0x74: {  	_ =	sfence.sel $0x180000  }
0x75: {  	[bflag:$0x0] =	sbarrier.arrive $0xFFFF  }
0x76: {  	p0 =	sne.s32 s0, $0x0;
	_ =	strace $0x9000004A  }
0x77: {  	s0 =	sadd.s32 @!p0 $0x100000, s2;
	[bflag:$0x2] =	sbarrier.arrive $0xFFFF  }
0x78: {  	[sflag:s0] =	ssyncadd.tile.s32 @!p0 $0x1;
	_ =	shalt  }
.Lfunc_end2:
_tile_overlayer_lowered:
.L_overlay_start_2:
0x79: {  	(tag) =	ssettag $0x2  }
0x7a: {  	s0 =	rddreg [dreg:$0x0];
	s2 =	stileid.u32  }
0x7b: {  	s1 =	rddreg [dreg:$0x1];
	p0 =	sne.s32 s2, $0x0  }
0x7c: {  	s3 =	rddreg [dreg:$0x2];
	[bflag:$0x3] =	sbarrier.arrive $0xFFFF;
	s2 =	simm.s32 @!p0 $0x1C03  }
0x7d: {  	[timem:s3], [sflag:s2] =	dma.local @!p0 [hbm:s0], s1  }
0x7e: {  	s0 =	simm.s32 @!p0 $0x3  }
0x7f: {  	_ =	swait.ge @!p0 [sflag:s0], s1  }
0x80: {  	s1 =	ssub.s32 @!p0 $0x0, s1;
	[sflag:s0] =	ssyncset.done @!p0 $0x0  }
0x81: {  	[sflag:s0] =	ssyncadd.s32 @!p0 s1  }
0x82: {  	[bflag:$0x3] =	sbarrier.arrive $0xFFFF  }
0x83: {  	_ =	shalt  }

</sc_bundles>
